<compile_context>
chip_gen: v7x
topology: tpu7x:2x2x1
jax: 0.10.2.dev20260603
libtpu: 0.0.44.dev20260713+nightly
codegen_flags: <defaults>
</compile_context>

<pallas_src>
import functools

import jax
import jax.numpy as jnp
from jax import lax
from jax.experimental import pallas as pl
from jax.experimental.pallas import tpu as pltpu
from jax.experimental.pallas import tpu_sc as plsc

_N = 256
_DT = 0.05
_DEPTH = 8
_BATCH = 262144
_L = 16
_NC = 2
_NS = 16
_NW = _NC * _NS
_BPW = _BATCH // _NW
_UNROLL = 2

_STEP = 0.390625
_DTB = 0.050048828125


def _rnbf16(a):
    u = plsc.bitcast(a, jnp.int32)
    u = (u + 0x7FFF + ((u >> 16) & 1)) & jnp.int32(-65536)
    return plsc.bitcast(u, jnp.float32)


def _nearest_idx(x):
    return (x * jnp.float32(_N) + jnp.float32(0.5)).astype(jnp.int32)


def _sc_body(x_hbm, f_hbm, out_hbm, buf, ftab):
    wid = lax.axis_index("s") * _NC + lax.axis_index("c")
    base = wid * (_BPW * 2)
    pltpu.sync_copy(f_hbm, ftab.at[pl.ds(0, _N)])
    pltpu.sync_copy(x_hbm.at[pl.ds(base, _BPW * 2)], buf)
    last = plsc.load_gather(ftab, [jnp.full((_L,), _N - 1, jnp.int32)])
    for j in range(_N // _L):
        ftab[pl.ds(_N + j * _L, _L)] = last

    dt = jnp.float32(_DT)

    @plsc.parallel_loop(0, _BPW // _L, unroll=_UNROLL)
    def _loop(i):
        off = (i >> 3) * 256 + (i & 7) * _L
        x = buf[pl.ds(off, _L)]
        v = buf[pl.ds(off + 128, _L)]
        v = _rnbf16(v)
        x = _rnbf16(x) + v * jnp.float32(_DTB)
        for _ in range(_DEPTH):
            idx = _nearest_idx(x)
            f = plsc.load_gather(ftab, [idx])
            v = v + dt * f
            x = x + v * dt
        buf[pl.ds(off, _L)] = x
        buf[pl.ds(off + 128, _L)] = v

    pltpu.sync_copy(buf, out_hbm.at[pl.ds(base, _BPW * 2)])


_mesh = plsc.VectorSubcoreMesh(core_axis_name="c", subcore_axis_name="s")

_sc_kernel = functools.partial(
    pl.kernel,
    mesh=_mesh,
    out_type=jax.ShapeDtypeStruct((_BATCH * 2,), jnp.float32),
    scratch_types=[
        pltpu.VMEM((_BPW * 2,), jnp.float32),
        pltpu.VMEM((2 * _N,), jnp.float32),
    ],
    compiler_params=pltpu.CompilerParams(needs_layout_passes=False),
)(_sc_body)


@jax.jit
def kernel(X, force):
    xf = X.reshape(_BATCH // 128, 128, 2).transpose(0, 2, 1).reshape(-1)
    out = _sc_kernel(xf, force)
    return (out.reshape(_BATCH // 128, 2, 128)
               .transpose(0, 2, 1).reshape(_BATCH, 2))

# --- scband reference (transcript-rebuilt; emitter-appended) ---
"""Pipeline reference for scband-diff-net-70987219468604 (READ-ONLY COPY).

The authoritative reference and input builder live on the scoring server;
editing this copy changes nothing except your own understanding.
"""

import jax, jax.numpy as jnp
import numpy as np

N = 256
DT = 0.05
DEPTH = 8
LL = 0.0
UL = 1.0
BATCH = 262144

def setup_inputs(seed: int = 0) -> dict:
    key = jax.random.key(seed)
    k1, k2 = jax.random.split(key)
    X = jax.random.uniform(k1, (BATCH, 2), dtype=jnp.float32)
    force = jax.random.uniform(k2, (N,), dtype=jnp.float32)
    return {"X": X, "force": force}

def reference(X, force):
    # W_matrix: fixed (non-trainable) linear, F.linear(x, W, b) = x @ W.T + b
    W = jnp.array([[1.0, DT], [0.0, 1.0]], dtype=jnp.float32)
    # percentage grid used by F_percentage_function: torch.arange(0, 100, 100/N)
    grid = jnp.arange(0.0, 100.0, 100.0 / N, dtype=jnp.float32)
    # nn.Sequential: W, then DEPTH x (activation, W)
    h = X @ W.T
    for _ in range(DEPTH):
        x = h[:, 0]
        v = h[:, 1]
        y_pct = (x - LL) / (UL - LL) * 100.0
        # nearest percentage grid point (first occurrence on ties, same as torch.argmin)
        idx = jnp.argmin(jnp.abs(y_pct[:, None] - grid[None, :]), axis=1)
        selected_force = jnp.take(force, idx, axis=0)
        h = jnp.stack([x, v + DT * selected_force], axis=0).T
        h = h @ W.T
    return h

if __name__ == "__main__":
    import jax
    _d = setup_inputs()
    print(jax.jit(kernel)(*tuple(_d.values())))

</pallas_src>

<mosaic_0001>
#map = affine_map<(d0, d1) -> (0)>
module attributes {stable_mosaic.version = 14 : i64} {
  func.func @_sc_body(%arg0: i32, %arg1: i32, %arg2: memref<524288xf32, #tpu.memory_space<hbm>>, %arg3: memref<256xf32, #tpu.memory_space<hbm>>, %arg4: memref<524288xf32, #tpu.memory_space<hbm>>, %arg5: memref<16384xf32, #tpu.memory_space<vmem>>, %arg6: memref<512xf32, #tpu.memory_space<vmem>>) attributes {dimension_semantics = [#tpu.dimension_semantics<core_parallel>, #tpu.dimension_semantics<subcore_parallel>], iteration_bounds = array<i64: 2, 16>, scalar_prefetch = 0 : i64, scratch_operands = 2 : i64, tpu.core_type = #tpu.core_type<sc_vector_subcore>, window_params = [{transform_indices = #map}, {transform_indices = #map}, {transform_indices = #map}]} {
    %mul3A = arith.constant 2 : i32
    %mul3A_0 = arith.muli %arg1, %mul3A : i32
    %add3A = arith.addi %mul3A_0, %arg0 : i32
    %mul3A_1 = arith.constant 16384 : i32
    %mul3A_2 = arith.muli %add3A, %mul3A_1 : i32
    "tpu.region"() ({
      %run_scoped3A = tpu.sem_alloc : memref<!tpu.dma_semaphore, #tpu.memory_space<semaphore_mem>>
      %dma_start3A = arith.constant 0 : i32
      %dma_start3A_38 = tpu.memref_slice %arg6[%dma_start3A] : memref<512xf32, #tpu.memory_space<vmem>> -> memref<256xf32, #tpu.memory_space<vmem>>
      %dma_start3A_39 = arith.constant 0 : i32
      %dma_start3A_40 = tpu.memref_slice %arg6[%dma_start3A_39] : memref<512xf32, #tpu.memory_space<vmem>> -> memref<256xf32, #tpu.memory_space<vmem>>
      tpu.enqueue_dma source(%arg3 : memref<256xf32, #tpu.memory_space<hbm>>) target(%dma_start3A_40 : memref<256xf32, #tpu.memory_space<vmem>>) target_semaphore(%run_scoped3A : memref<!tpu.dma_semaphore, #tpu.memory_space<semaphore_mem>>)
      %dma_wait3A = arith.constant 0 : i32
      %dma_wait3A_41 = tpu.memref_slice %arg6[%dma_wait3A] : memref<512xf32, #tpu.memory_space<vmem>> -> memref<256xf32, #tpu.memory_space<vmem>>
      %dma_wait3A_42 = arith.constant 0 : i32
      %dma_wait3A_43 = tpu.memref_slice %arg6[%dma_wait3A_42] : memref<512xf32, #tpu.memory_space<vmem>> -> memref<256xf32, #tpu.memory_space<vmem>>
      tpu.wait_dma2 semaphore(%run_scoped3A : memref<!tpu.dma_semaphore, #tpu.memory_space<semaphore_mem>>) src(%arg3 : memref<256xf32, #tpu.memory_space<hbm>>) dst(%dma_wait3A_43 : memref<256xf32, #tpu.memory_space<vmem>>)
      tpu.yield
    }) : () -> ()
    "tpu.region"() ({
      %run_scoped3A = tpu.sem_alloc : memref<!tpu.dma_semaphore, #tpu.memory_space<semaphore_mem>>
      %dma_start3A = tpu.memref_slice %arg2[%mul3A_2] : memref<524288xf32, #tpu.memory_space<hbm>> -> memref<16384xf32, #tpu.memory_space<hbm>>
      %dma_start3A_38 = tpu.memref_slice %arg2[%mul3A_2] : memref<524288xf32, #tpu.memory_space<hbm>> -> memref<16384xf32, #tpu.memory_space<hbm>>
      tpu.enqueue_dma source(%dma_start3A_38 : memref<16384xf32, #tpu.memory_space<hbm>>) target(%arg5 : memref<16384xf32, #tpu.memory_space<vmem>>) target_semaphore(%run_scoped3A : memref<!tpu.dma_semaphore, #tpu.memory_space<semaphore_mem>>)
      %dma_wait3A = tpu.memref_slice %arg2[%mul3A_2] : memref<524288xf32, #tpu.memory_space<hbm>> -> memref<16384xf32, #tpu.memory_space<hbm>>
      %dma_wait3A_39 = tpu.memref_slice %arg2[%mul3A_2] : memref<524288xf32, #tpu.memory_space<hbm>> -> memref<16384xf32, #tpu.memory_space<hbm>>
      tpu.wait_dma2 semaphore(%run_scoped3A : memref<!tpu.dma_semaphore, #tpu.memory_space<semaphore_mem>>) src(%dma_wait3A_39 : memref<16384xf32, #tpu.memory_space<hbm>>) dst(%arg5 : memref<16384xf32, #tpu.memory_space<vmem>>)
      tpu.yield
    }) : () -> ()
    %broadcast_in_dim3A = arith.constant 255 : i32
    %broadcast_in_dim3A_3 = vector.broadcast %broadcast_in_dim3A : i32 to vector<16xi32>
    %gather3A = tpu.vector_load_idx %arg6[%broadcast_in_dim3A_3] : memref<512xf32, #tpu.memory_space<vmem>>[vector<16xi32>], vector<16xf32>,
    %swap3A = arith.constant 256 : index
    %swap3A_4 = tpu.vector_load %arg6[%swap3A] {strides = array<i32>} : memref<512xf32, #tpu.memory_space<vmem>>, vector<16xf32>,
    tpu.vector_store %arg6[%swap3A], %gather3A {strides = array<i32>} : memref<512xf32, #tpu.memory_space<vmem>>, vector<16xf32>,
    %swap3A_5 = arith.constant 272 : index
    %swap3A_6 = tpu.vector_load %arg6[%swap3A_5] {strides = array<i32>} : memref<512xf32, #tpu.memory_space<vmem>>, vector<16xf32>,
    tpu.vector_store %arg6[%swap3A_5], %gather3A {strides = array<i32>} : memref<512xf32, #tpu.memory_space<vmem>>, vector<16xf32>,
    %swap3A_7 = arith.constant 288 : index
    %swap3A_8 = tpu.vector_load %arg6[%swap3A_7] {strides = array<i32>} : memref<512xf32, #tpu.memory_space<vmem>>, vector<16xf32>,
    tpu.vector_store %arg6[%swap3A_7], %gather3A {strides = array<i32>} : memref<512xf32, #tpu.memory_space<vmem>>, vector<16xf32>,
    %swap3A_9 = arith.constant 304 : index
    %swap3A_10 = tpu.vector_load %arg6[%swap3A_9] {strides = array<i32>} : memref<512xf32, #tpu.memory_space<vmem>>, vector<16xf32>,
    tpu.vector_store %arg6[%swap3A_9], %gather3A {strides = array<i32>} : memref<512xf32, #tpu.memory_space<vmem>>, vector<16xf32>,
    %swap3A_11 = arith.constant 320 : index
    %swap3A_12 = tpu.vector_load %arg6[%swap3A_11] {strides = array<i32>} : memref<512xf32, #tpu.memory_space<vmem>>, vector<16xf32>,
    tpu.vector_store %arg6[%swap3A_11], %gather3A {strides = array<i32>} : memref<512xf32, #tpu.memory_space<vmem>>, vector<16xf32>,
    %swap3A_13 = arith.constant 336 : index
    %swap3A_14 = tpu.vector_load %arg6[%swap3A_13] {strides = array<i32>} : memref<512xf32, #tpu.memory_space<vmem>>, vector<16xf32>,
    tpu.vector_store %arg6[%swap3A_13], %gather3A {strides = array<i32>} : memref<512xf32, #tpu.memory_space<vmem>>, vector<16xf32>,
    %swap3A_15 = arith.constant 352 : index
    %swap3A_16 = tpu.vector_load %arg6[%swap3A_15] {strides = array<i32>} : memref<512xf32, #tpu.memory_space<vmem>>, vector<16xf32>,
    tpu.vector_store %arg6[%swap3A_15], %gather3A {strides = array<i32>} : memref<512xf32, #tpu.memory_space<vmem>>, vector<16xf32>,
    %swap3A_17 = arith.constant 368 : index
    %swap3A_18 = tpu.vector_load %arg6[%swap3A_17] {strides = array<i32>} : memref<512xf32, #tpu.memory_space<vmem>>, vector<16xf32>,
    tpu.vector_store %arg6[%swap3A_17], %gather3A {strides = array<i32>} : memref<512xf32, #tpu.memory_space<vmem>>, vector<16xf32>,
    %swap3A_19 = arith.constant 384 : index
    %swap3A_20 = tpu.vector_load %arg6[%swap3A_19] {strides = array<i32>} : memref<512xf32, #tpu.memory_space<vmem>>, vector<16xf32>,
    tpu.vector_store %arg6[%swap3A_19], %gather3A {strides = array<i32>} : memref<512xf32, #tpu.memory_space<vmem>>, vector<16xf32>,
    %swap3A_21 = arith.constant 400 : index
    %swap3A_22 = tpu.vector_load %arg6[%swap3A_21] {strides = array<i32>} : memref<512xf32, #tpu.memory_space<vmem>>, vector<16xf32>,
    tpu.vector_store %arg6[%swap3A_21], %gather3A {strides = array<i32>} : memref<512xf32, #tpu.memory_space<vmem>>, vector<16xf32>,
    %swap3A_23 = arith.constant 416 : index
    %swap3A_24 = tpu.vector_load %arg6[%swap3A_23] {strides = array<i32>} : memref<512xf32, #tpu.memory_space<vmem>>, vector<16xf32>,
    tpu.vector_store %arg6[%swap3A_23], %gather3A {strides = array<i32>} : memref<512xf32, #tpu.memory_space<vmem>>, vector<16xf32>,
    %swap3A_25 = arith.constant 432 : index
    %swap3A_26 = tpu.vector_load %arg6[%swap3A_25] {strides = array<i32>} : memref<512xf32, #tpu.memory_space<vmem>>, vector<16xf32>,
    tpu.vector_store %arg6[%swap3A_25], %gather3A {strides = array<i32>} : memref<512xf32, #tpu.memory_space<vmem>>, vector<16xf32>,
    %swap3A_27 = arith.constant 448 : index
    %swap3A_28 = tpu.vector_load %arg6[%swap3A_27] {strides = array<i32>} : memref<512xf32, #tpu.memory_space<vmem>>, vector<16xf32>,
    tpu.vector_store %arg6[%swap3A_27], %gather3A {strides = array<i32>} : memref<512xf32, #tpu.memory_space<vmem>>, vector<16xf32>,
    %swap3A_29 = arith.constant 464 : index
    %swap3A_30 = tpu.vector_load %arg6[%swap3A_29] {strides = array<i32>} : memref<512xf32, #tpu.memory_space<vmem>>, vector<16xf32>,
    tpu.vector_store %arg6[%swap3A_29], %gather3A {strides = array<i32>} : memref<512xf32, #tpu.memory_space<vmem>>, vector<16xf32>,
    %swap3A_31 = arith.constant 480 : index
    %swap3A_32 = tpu.vector_load %arg6[%swap3A_31] {strides = array<i32>} : memref<512xf32, #tpu.memory_space<vmem>>, vector<16xf32>,
    tpu.vector_store %arg6[%swap3A_31], %gather3A {strides = array<i32>} : memref<512xf32, #tpu.memory_space<vmem>>, vector<16xf32>,
    %swap3A_33 = arith.constant 496 : index
    %swap3A_34 = tpu.vector_load %arg6[%swap3A_33] {strides = array<i32>} : memref<512xf32, #tpu.memory_space<vmem>>, vector<16xf32>,
    tpu.vector_store %arg6[%swap3A_33], %gather3A {strides = array<i32>} : memref<512xf32, #tpu.memory_space<vmem>>, vector<16xf32>,
    %parallel_loop3A = arith.constant 0 : i32
    %parallel_loop3A_35 = arith.constant 512 : i32
    %parallel_loop3A_36 = arith.constant 1 : i32
    %parallel_loop3A_37 = arith.constant 5.000000e-02 : f32
    scf.for %parallel_loop3A_38 = %parallel_loop3A to %parallel_loop3A_35 step %parallel_loop3A_36  : i32 {
      %parallel_loop3A_39 = arith.constant 3 : i32
      %parallel_loop3A_40 = arith.shrsi %parallel_loop3A_38, %parallel_loop3A_39 : i32
      %parallel_loop3A_41 = arith.constant 256 : i32
      %parallel_loop3A_42 = arith.muli %parallel_loop3A_40, %parallel_loop3A_41 : i32
      %parallel_loop3A_43 = arith.constant 7 : i32
      %parallel_loop3A_44 = arith.andi %parallel_loop3A_38, %parallel_loop3A_43 : i32
      %parallel_loop3A_45 = arith.constant 16 : i32
      %parallel_loop3A_46 = arith.muli %parallel_loop3A_44, %parallel_loop3A_45 : i32
      %parallel_loop3A_47 = arith.addi %parallel_loop3A_42, %parallel_loop3A_46 : i32
      %parallel_loop3A_48 = arith.index_cast %parallel_loop3A_47 : i32 to index
      %parallel_loop3A_49 = tpu.vector_load %arg5[%parallel_loop3A_48] {strides = array<i32>} : memref<16384xf32, #tpu.memory_space<vmem>>, vector<16xf32>,
      %parallel_loop3A_50 = arith.constant 128 : i32
      %parallel_loop3A_51 = arith.addi %parallel_loop3A_47, %parallel_loop3A_50 : i32
      %parallel_loop3A_52 = arith.index_cast %parallel_loop3A_51 : i32 to index
      %parallel_loop3A_53 = tpu.vector_load %arg5[%parallel_loop3A_52] {strides = array<i32>} : memref<16384xf32, #tpu.memory_space<vmem>>, vector<16xf32>,
      %parallel_loop3A_54 = vector.bitcast %parallel_loop3A_53 : vector<16xf32> to vector<16xi32>
      %parallel_loop3A_55 = arith.constant 32767 : i32
      %parallel_loop3A_56 = vector.broadcast %parallel_loop3A_55 : i32 to vector<16xi32>
      %parallel_loop3A_57 = arith.addi %parallel_loop3A_54, %parallel_loop3A_56 : vector<16xi32>
      %parallel_loop3A_58 = arith.constant 16 : i32
      %parallel_loop3A_59 = vector.broadcast %parallel_loop3A_58 : i32 to vector<16xi32>
      %parallel_loop3A_60 = arith.shrsi %parallel_loop3A_54, %parallel_loop3A_59 : vector<16xi32>
      %parallel_loop3A_61 = arith.constant 1 : i32
      %parallel_loop3A_62 = vector.broadcast %parallel_loop3A_61 : i32 to vector<16xi32>
      %parallel_loop3A_63 = arith.andi %parallel_loop3A_60, %parallel_loop3A_62 : vector<16xi32>
      %parallel_loop3A_64 = arith.addi %parallel_loop3A_57, %parallel_loop3A_63 : vector<16xi32>
      %parallel_loop3A_65 = arith.constant -65536 : i32
      %parallel_loop3A_66 = vector.broadcast %parallel_loop3A_65 : i32 to vector<16xi32>
      %parallel_loop3A_67 = arith.andi %parallel_loop3A_64, %parallel_loop3A_66 : vector<16xi32>
      %parallel_loop3A_68 = vector.bitcast %parallel_loop3A_67 : vector<16xi32> to vector<16xf32>
      %parallel_loop3A_69 = vector.bitcast %parallel_loop3A_49 : vector<16xf32> to vector<16xi32>
      %parallel_loop3A_70 = arith.constant 32767 : i32
      %parallel_loop3A_71 = vector.broadcast %parallel_loop3A_70 : i32 to vector<16xi32>
      %parallel_loop3A_72 = arith.addi %parallel_loop3A_69, %parallel_loop3A_71 : vector<16xi32>
      %parallel_loop3A_73 = arith.constant 16 : i32
      %parallel_loop3A_74 = vector.broadcast %parallel_loop3A_73 : i32 to vector<16xi32>
      %parallel_loop3A_75 = arith.shrsi %parallel_loop3A_69, %parallel_loop3A_74 : vector<16xi32>
      %parallel_loop3A_76 = arith.constant 1 : i32
      %parallel_loop3A_77 = vector.broadcast %parallel_loop3A_76 : i32 to vector<16xi32>
      %parallel_loop3A_78 = arith.andi %parallel_loop3A_75, %parallel_loop3A_77 : vector<16xi32>
      %parallel_loop3A_79 = arith.addi %parallel_loop3A_72, %parallel_loop3A_78 : vector<16xi32>
      %parallel_loop3A_80 = arith.constant -65536 : i32
      %parallel_loop3A_81 = vector.broadcast %parallel_loop3A_80 : i32 to vector<16xi32>
      %parallel_loop3A_82 = arith.andi %parallel_loop3A_79, %parallel_loop3A_81 : vector<16xi32>
      %parallel_loop3A_83 = vector.bitcast %parallel_loop3A_82 : vector<16xi32> to vector<16xf32>
      %parallel_loop3A_84 = arith.constant 0.0500488281 : f32
      %parallel_loop3A_85 = vector.broadcast %parallel_loop3A_84 : f32 to vector<16xf32>
      %parallel_loop3A_86 = arith.mulf %parallel_loop3A_68, %parallel_loop3A_85 : vector<16xf32>
      %parallel_loop3A_87 = arith.addf %parallel_loop3A_83, %parallel_loop3A_86 : vector<16xf32>
      %parallel_loop3A_88 = arith.constant 2.560000e+02 : f32
      %parallel_loop3A_89 = vector.broadcast %parallel_loop3A_88 : f32 to vector<16xf32>
      %parallel_loop3A_90 = arith.mulf %parallel_loop3A_87, %parallel_loop3A_89 : vector<16xf32>
      %parallel_loop3A_91 = arith.constant 5.000000e-01 : f32
      %parallel_loop3A_92 = vector.broadcast %parallel_loop3A_91 : f32 to vector<16xf32>
      %parallel_loop3A_93 = arith.addf %parallel_loop3A_90, %parallel_loop3A_92 : vector<16xf32>
      %parallel_loop3A_94 = arith.fptosi %parallel_loop3A_93 : vector<16xf32> to vector<16xi32>
      %parallel_loop3A_95 = tpu.vector_load_idx %arg6[%parallel_loop3A_94] : memref<512xf32, #tpu.memory_space<vmem>>[vector<16xi32>], vector<16xf32>,
      %parallel_loop3A_96 = vector.broadcast %parallel_loop3A_37 : f32 to vector<16xf32>
      %parallel_loop3A_97 = arith.mulf %parallel_loop3A_96, %parallel_loop3A_95 : vector<16xf32>
      %parallel_loop3A_98 = arith.addf %parallel_loop3A_68, %parallel_loop3A_97 : vector<16xf32>
      %parallel_loop3A_99 = vector.broadcast %parallel_loop3A_37 : f32 to vector<16xf32>
      %parallel_loop3A_100 = arith.mulf %parallel_loop3A_98, %parallel_loop3A_99 : vector<16xf32>
      %parallel_loop3A_101 = arith.addf %parallel_loop3A_87, %parallel_loop3A_100 : vector<16xf32>
      %parallel_loop3A_102 = arith.constant 2.560000e+02 : f32
      %parallel_loop3A_103 = vector.broadcast %parallel_loop3A_102 : f32 to vector<16xf32>
      %parallel_loop3A_104 = arith.mulf %parallel_loop3A_101, %parallel_loop3A_103 : vector<16xf32>
      %parallel_loop3A_105 = arith.constant 5.000000e-01 : f32
      %parallel_loop3A_106 = vector.broadcast %parallel_loop3A_105 : f32 to vector<16xf32>
      %parallel_loop3A_107 = arith.addf %parallel_loop3A_104, %parallel_loop3A_106 : vector<16xf32>
      %parallel_loop3A_108 = arith.fptosi %parallel_loop3A_107 : vector<16xf32> to vector<16xi32>
      %parallel_loop3A_109 = tpu.vector_load_idx %arg6[%parallel_loop3A_108] : memref<512xf32, #tpu.memory_space<vmem>>[vector<16xi32>], vector<16xf32>,
      %parallel_loop3A_110 = vector.broadcast %parallel_loop3A_37 : f32 to vector<16xf32>
      %parallel_loop3A_111 = arith.mulf %parallel_loop3A_110, %parallel_loop3A_109 : vector<16xf32>
      %parallel_loop3A_112 = arith.addf %parallel_loop3A_98, %parallel_loop3A_111 : vector<16xf32>
      %parallel_loop3A_113 = vector.broadcast %parallel_loop3A_37 : f32 to vector<16xf32>
      %parallel_loop3A_114 = arith.mulf %parallel_loop3A_112, %parallel_loop3A_113 : vector<16xf32>
      %parallel_loop3A_115 = arith.addf %parallel_loop3A_101, %parallel_loop3A_114 : vector<16xf32>
      %parallel_loop3A_116 = arith.constant 2.560000e+02 : f32
      %parallel_loop3A_117 = vector.broadcast %parallel_loop3A_116 : f32 to vector<16xf32>
      %parallel_loop3A_118 = arith.mulf %parallel_loop3A_115, %parallel_loop3A_117 : vector<16xf32>
      %parallel_loop3A_119 = arith.constant 5.000000e-01 : f32
      %parallel_loop3A_120 = vector.broadcast %parallel_loop3A_119 : f32 to vector<16xf32>
      %parallel_loop3A_121 = arith.addf %parallel_loop3A_118, %parallel_loop3A_120 : vector<16xf32>
      %parallel_loop3A_122 = arith.fptosi %parallel_loop3A_121 : vector<16xf32> to vector<16xi32>
      %parallel_loop3A_123 = tpu.vector_load_idx %arg6[%parallel_loop3A_122] : memref<512xf32, #tpu.memory_space<vmem>>[vector<16xi32>], vector<16xf32>,
      %parallel_loop3A_124 = vector.broadcast %parallel_loop3A_37 : f32 to vector<16xf32>
      %parallel_loop3A_125 = arith.mulf %parallel_loop3A_124, %parallel_loop3A_123 : vector<16xf32>
      %parallel_loop3A_126 = arith.addf %parallel_loop3A_112, %parallel_loop3A_125 : vector<16xf32>
      %parallel_loop3A_127 = vector.broadcast %parallel_loop3A_37 : f32 to vector<16xf32>
      %parallel_loop3A_128 = arith.mulf %parallel_loop3A_126, %parallel_loop3A_127 : vector<16xf32>
      %parallel_loop3A_129 = arith.addf %parallel_loop3A_115, %parallel_loop3A_128 : vector<16xf32>
      %parallel_loop3A_130 = arith.constant 2.560000e+02 : f32
      %parallel_loop3A_131 = vector.broadcast %parallel_loop3A_130 : f32 to vector<16xf32>
      %parallel_loop3A_132 = arith.mulf %parallel_loop3A_129, %parallel_loop3A_131 : vector<16xf32>
      %parallel_loop3A_133 = arith.constant 5.000000e-01 : f32
      %parallel_loop3A_134 = vector.broadcast %parallel_loop3A_133 : f32 to vector<16xf32>
      %parallel_loop3A_135 = arith.addf %parallel_loop3A_132, %parallel_loop3A_134 : vector<16xf32>
      %parallel_loop3A_136 = arith.fptosi %parallel_loop3A_135 : vector<16xf32> to vector<16xi32>
      %parallel_loop3A_137 = tpu.vector_load_idx %arg6[%parallel_loop3A_136] : memref<512xf32, #tpu.memory_space<vmem>>[vector<16xi32>], vector<16xf32>,
      %parallel_loop3A_138 = vector.broadcast %parallel_loop3A_37 : f32 to vector<16xf32>
      %parallel_loop3A_139 = arith.mulf %parallel_loop3A_138, %parallel_loop3A_137 : vector<16xf32>
      %parallel_loop3A_140 = arith.addf %parallel_loop3A_126, %parallel_loop3A_139 : vector<16xf32>
      %parallel_loop3A_141 = vector.broadcast %parallel_loop3A_37 : f32 to vector<16xf32>
      %parallel_loop3A_142 = arith.mulf %parallel_loop3A_140, %parallel_loop3A_141 : vector<16xf32>
      %parallel_loop3A_143 = arith.addf %parallel_loop3A_129, %parallel_loop3A_142 : vector<16xf32>
      %parallel_loop3A_144 = arith.constant 2.560000e+02 : f32
      %parallel_loop3A_145 = vector.broadcast %parallel_loop3A_144 : f32 to vector<16xf32>
      %parallel_loop3A_146 = arith.mulf %parallel_loop3A_143, %parallel_loop3A_145 : vector<16xf32>
      %parallel_loop3A_147 = arith.constant 5.000000e-01 : f32
      %parallel_loop3A_148 = vector.broadcast %parallel_loop3A_147 : f32 to vector<16xf32>
      %parallel_loop3A_149 = arith.addf %parallel_loop3A_146, %parallel_loop3A_148 : vector<16xf32>
      %parallel_loop3A_150 = arith.fptosi %parallel_loop3A_149 : vector<16xf32> to vector<16xi32>
      %parallel_loop3A_151 = tpu.vector_load_idx %arg6[%parallel_loop3A_150] : memref<512xf32, #tpu.memory_space<vmem>>[vector<16xi32>], vector<16xf32>,
      %parallel_loop3A_152 = vector.broadcast %parallel_loop3A_37 : f32 to vector<16xf32>
      %parallel_loop3A_153 = arith.mulf %parallel_loop3A_152, %parallel_loop3A_151 : vector<16xf32>
      %parallel_loop3A_154 = arith.addf %parallel_loop3A_140, %parallel_loop3A_153 : vector<16xf32>
      %parallel_loop3A_155 = vector.broadcast %parallel_loop3A_37 : f32 to vector<16xf32>
      %parallel_loop3A_156 = arith.mulf %parallel_loop3A_154, %parallel_loop3A_155 : vector<16xf32>
      %parallel_loop3A_157 = arith.addf %parallel_loop3A_143, %parallel_loop3A_156 : vector<16xf32>
      %parallel_loop3A_158 = arith.constant 2.560000e+02 : f32
      %parallel_loop3A_159 = vector.broadcast %parallel_loop3A_158 : f32 to vector<16xf32>
      %parallel_loop3A_160 = arith.mulf %parallel_loop3A_157, %parallel_loop3A_159 : vector<16xf32>
      %parallel_loop3A_161 = arith.constant 5.000000e-01 : f32
      %parallel_loop3A_162 = vector.broadcast %parallel_loop3A_161 : f32 to vector<16xf32>
      %parallel_loop3A_163 = arith.addf %parallel_loop3A_160, %parallel_loop3A_162 : vector<16xf32>
      %parallel_loop3A_164 = arith.fptosi %parallel_loop3A_163 : vector<16xf32> to vector<16xi32>
      %parallel_loop3A_165 = tpu.vector_load_idx %arg6[%parallel_loop3A_164] : memref<512xf32, #tpu.memory_space<vmem>>[vector<16xi32>], vector<16xf32>,
      %parallel_loop3A_166 = vector.broadcast %parallel_loop3A_37 : f32 to vector<16xf32>
      %parallel_loop3A_167 = arith.mulf %parallel_loop3A_166, %parallel_loop3A_165 : vector<16xf32>
      %parallel_loop3A_168 = arith.addf %parallel_loop3A_154, %parallel_loop3A_167 : vector<16xf32>
      %parallel_loop3A_169 = vector.broadcast %parallel_loop3A_37 : f32 to vector<16xf32>
      %parallel_loop3A_170 = arith.mulf %parallel_loop3A_168, %parallel_loop3A_169 : vector<16xf32>
      %parallel_loop3A_171 = arith.addf %parallel_loop3A_157, %parallel_loop3A_170 : vector<16xf32>
      %parallel_loop3A_172 = arith.constant 2.560000e+02 : f32
      %parallel_loop3A_173 = vector.broadcast %parallel_loop3A_172 : f32 to vector<16xf32>
      %parallel_loop3A_174 = arith.mulf %parallel_loop3A_171, %parallel_loop3A_173 : vector<16xf32>
      %parallel_loop3A_175 = arith.constant 5.000000e-01 : f32
      %parallel_loop3A_176 = vector.broadcast %parallel_loop3A_175 : f32 to vector<16xf32>
      %parallel_loop3A_177 = arith.addf %parallel_loop3A_174, %parallel_loop3A_176 : vector<16xf32>
      %parallel_loop3A_178 = arith.fptosi %parallel_loop3A_177 : vector<16xf32> to vector<16xi32>
      %parallel_loop3A_179 = tpu.vector_load_idx %arg6[%parallel_loop3A_178] : memref<512xf32, #tpu.memory_space<vmem>>[vector<16xi32>], vector<16xf32>,
      %parallel_loop3A_180 = vector.broadcast %parallel_loop3A_37 : f32 to vector<16xf32>
      %parallel_loop3A_181 = arith.mulf %parallel_loop3A_180, %parallel_loop3A_179 : vector<16xf32>
      %parallel_loop3A_182 = arith.addf %parallel_loop3A_168, %parallel_loop3A_181 : vector<16xf32>
      %parallel_loop3A_183 = vector.broadcast %parallel_loop3A_37 : f32 to vector<16xf32>
      %parallel_loop3A_184 = arith.mulf %parallel_loop3A_182, %parallel_loop3A_183 : vector<16xf32>
      %parallel_loop3A_185 = arith.addf %parallel_loop3A_171, %parallel_loop3A_184 : vector<16xf32>
      %parallel_loop3A_186 = arith.constant 2.560000e+02 : f32
      %parallel_loop3A_187 = vector.broadcast %parallel_loop3A_186 : f32 to vector<16xf32>
      %parallel_loop3A_188 = arith.mulf %parallel_loop3A_185, %parallel_loop3A_187 : vector<16xf32>
      %parallel_loop3A_189 = arith.constant 5.000000e-01 : f32
      %parallel_loop3A_190 = vector.broadcast %parallel_loop3A_189 : f32 to vector<16xf32>
      %parallel_loop3A_191 = arith.addf %parallel_loop3A_188, %parallel_loop3A_190 : vector<16xf32>
      %parallel_loop3A_192 = arith.fptosi %parallel_loop3A_191 : vector<16xf32> to vector<16xi32>
      %parallel_loop3A_193 = tpu.vector_load_idx %arg6[%parallel_loop3A_192] : memref<512xf32, #tpu.memory_space<vmem>>[vector<16xi32>], vector<16xf32>,
      %parallel_loop3A_194 = vector.broadcast %parallel_loop3A_37 : f32 to vector<16xf32>
      %parallel_loop3A_195 = arith.mulf %parallel_loop3A_194, %parallel_loop3A_193 : vector<16xf32>
      %parallel_loop3A_196 = arith.addf %parallel_loop3A_182, %parallel_loop3A_195 : vector<16xf32>
      %parallel_loop3A_197 = vector.broadcast %parallel_loop3A_37 : f32 to vector<16xf32>
      %parallel_loop3A_198 = arith.mulf %parallel_loop3A_196, %parallel_loop3A_197 : vector<16xf32>
      %parallel_loop3A_199 = arith.addf %parallel_loop3A_185, %parallel_loop3A_198 : vector<16xf32>
      %parallel_loop3A_200 = arith.index_cast %parallel_loop3A_47 : i32 to index
      %parallel_loop3A_201 = tpu.vector_load %arg5[%parallel_loop3A_200] {strides = array<i32>} : memref<16384xf32, #tpu.memory_space<vmem>>, vector<16xf32>,
      tpu.vector_store %arg5[%parallel_loop3A_200], %parallel_loop3A_199 {strides = array<i32>} : memref<16384xf32, #tpu.memory_space<vmem>>, vector<16xf32>,
      %parallel_loop3A_202 = arith.constant 128 : i32
      %parallel_loop3A_203 = arith.addi %parallel_loop3A_47, %parallel_loop3A_202 : i32
      %parallel_loop3A_204 = arith.index_cast %parallel_loop3A_203 : i32 to index
      %parallel_loop3A_205 = tpu.vector_load %arg5[%parallel_loop3A_204] {strides = array<i32>} : memref<16384xf32, #tpu.memory_space<vmem>>, vector<16xf32>,
      tpu.vector_store %arg5[%parallel_loop3A_204], %parallel_loop3A_196 {strides = array<i32>} : memref<16384xf32, #tpu.memory_space<vmem>>, vector<16xf32>,
    } {sc.loop_unroll_factor = 2 : i64, sc.parallel_access}
    "tpu.region"() ({
      %run_scoped3A = tpu.sem_alloc : memref<!tpu.dma_semaphore, #tpu.memory_space<semaphore_mem>>
      %dma_start3A = tpu.memref_slice %arg4[%mul3A_2] : memref<524288xf32, #tpu.memory_space<hbm>> -> memref<16384xf32, #tpu.memory_space<hbm>>
      %dma_start3A_38 = tpu.memref_slice %arg4[%mul3A_2] : memref<524288xf32, #tpu.memory_space<hbm>> -> memref<16384xf32, #tpu.memory_space<hbm>>
      tpu.enqueue_dma source(%arg5 : memref<16384xf32, #tpu.memory_space<vmem>>) target(%dma_start3A_38 : memref<16384xf32, #tpu.memory_space<hbm>>) target_semaphore(%run_scoped3A : memref<!tpu.dma_semaphore, #tpu.memory_space<semaphore_mem>>)
      %dma_wait3A = tpu.memref_slice %arg4[%mul3A_2] : memref<524288xf32, #tpu.memory_space<hbm>> -> memref<16384xf32, #tpu.memory_space<hbm>>
      %dma_wait3A_39 = tpu.memref_slice %arg4[%mul3A_2] : memref<524288xf32, #tpu.memory_space<hbm>> -> memref<16384xf32, #tpu.memory_space<hbm>>
      tpu.wait_dma2 semaphore(%run_scoped3A : memref<!tpu.dma_semaphore, #tpu.memory_space<semaphore_mem>>) src(%arg5 : memref<16384xf32, #tpu.memory_space<vmem>>) dst(%dma_wait3A_39 : memref<16384xf32, #tpu.memory_space<hbm>>)
      tpu.yield
    }) : () -> ()
    return
  }
}

</mosaic_0001>

<sc_bundles>
// kernel: kernel.3.cloned.1.call-start
scs
__scs_entry_jumppad:
0x0: {  	(pc) =	sbr.rel $0x88, $3  }
0x1: {  	(tag) =	ssettag $0x0;
	lr =	simm.s32 $0x1  }
0x2: {  	[smem:$0x3F9F] =	sst lr;
	_ =	strace $0xD0000000  }
0x3: {  	_ = 	snop  }
0x4: {  	_ = 	snop  }
0x5: {  	_ = 	snop  }
0x6: {  	_ = 	snop  }
0x7: {  	_ = 	snop  }
__scs_overlays_trampoline_lowered:
0x8: {  	[smem:$0x3FAE] =	sst s0  }
0x9: {  	[smem:$0x3FAF] =	sst s1  }
0xa: {  	[smem:$0x3FB0] =	sst s2  }
0xb: {  	[smem:$0x3FB1] =	sst s3  }
0xc: {  	[smem:$0x3FB2] =	sst s4  }
0xd: {  	[smem:$0x3FB3] =	sst s5  }
0xe: {  	[smem:$0x3FB4] =	sst s6  }
0xf: {  	[smem:$0x3FB5] =	sst s7  }
0x10: {  	[smem:$0x3FB6] =	sst s8  }
0x11: {  	[smem:$0x3FB7] =	sst s9;
	s0 =	simm.s32 @!p0 $0x0  }
0x12: {  	s1 =	sld [smem:$0x3F9D];
	s0 =	simm.s32 @p0 $0x1  }
0x13: {  	[smem:$0x3FB8] =	sst s0;
	s0 =	simm.s32 @!p1 $0x0  }
0x14: {  	s2 =	sld [smem:$0x3F9C];
	s0 =	simm.s32 @p1 $0x1  }
0x15: {  	[smem:$0x3FB9] =	sst s0;
	s0 =	simm.s32 @!p2 $0x0  }
0x16: {  	s3 =	sld [smem:$0x3FDB];
	s0 =	simm.s32 @p2 $0x1  }
0x17: {  	s4 =	simm.s32 $0x1BF5;
	[smem:$0x3FBB] =	sst s0  }
0x18: {  	s0 =	sld [smem:$0x3F9E];
	_ =	swait.ge [sflag:s4], $0x0  }
0x19: {  	s7 =	sld [smem:$0x3F9F]  }
0x1a: {  	s8 =	sadd.s32 $0xFFFFE003, lr  }
0x1b: {  	s9 =	sadd.s32 $0xFFFFFEF7, lr;
	s5 =	simm.s32 $0xFFFFFFFF;
	p2 =	slt.u32 s8, $0xFFFFF086  }
0x1c: {  	p1 =	slt.u32 s9, $0xF7A;
	s5 =	simm.s32 @!p2 $0x0  }
0x1d: {  	s5 =	simm.s32 @p1 $0x1;
	p0 =	seq.s32 s7, s2  }
0x1e: {  	s7 =	smul.u32 @!p0 $0xF7A, s2;
	p2 =	seq.s32 @!p0 s5, $0x0  }
0x1f: {  	s9 =	smul.u32 $0xF7A, s1;
	s8 =	simm.s32 @!p0 $0x1BF5;
	p2 =	por !p2, p0  }
0x20: {  	[sflag:s8] =	ssyncset.s32 @!p0 $0xFFFFF086;
	s6 =	sadd.s32 @!p0 s3, s7;
	s7 =	simm.s32 @!p0 $0x108  }
0x21: {  	s3 =	sadd.s32 s3, s9;
	s6 =	sadd.s32 @!p0 $0x88, s6;
	s7 =	simm.s32 @p2 $0x1082  }
0x22: {  	[simem:s7], [sflag:s8] =	dma.local @!p0 [hbm:s6], $0xF7A  }
0x23: {  	s9 =	sor.u32 $0xD0000000, s2;
	s6 =	simm.s32 $0x108;
	_ =	swait.ge @!p0 [sflag:s8], $0x0  }
0x24: {  	s3 =	sadd.s32 $0x88, s3;
	s6 =	simm.s32 @!p1 $0x1082;
	[sflag:s4] =	ssyncset.s32 $0xFFFFF086  }
0x25: {  	[simem:s6], [sflag:s4] =	dma.local [hbm:s3], $0xF7A  }
0x26: {  	[smem:$0x3F9F] =	sst s1;
	(tag) =	ssettag s2;
	_ =	strace s9  }
0x27: {  	s1 =	sld [smem:$0x3FAF]  }
0x28: {  	s2 =	sld [smem:$0x3FB0]  }
0x29: {  	s4 =	sld [smem:$0x3FB2]  }
0x2a: {  	p0 =	seq.s32 s5, $0x0;
	s5 =	sld [smem:$0x3FB3]  }
0x2b: {  	s6 =	sld [smem:$0x3FB4]  }
0x2c: {  	s7 =	sld [smem:$0x3FB5]  }
0x2d: {  	s3 =	simm.s32 $0x108;
	s8 =	sld [smem:$0x3FB6]  }
0x2e: {  	s3 =	simm.s32 @!p0 $0x1082;
	s9 =	sld [smem:$0x3FB7]  }
0x2f: {  	lr =	sadd.s32 s0, s3;
	s0 =	sld [smem:$0x3FAE]  }
0x30: {  	s3 =	sld [smem:$0x3FB1]  }
0x31: {  	[smem:$0x3FBA] =	sst s10  }
0x32: {  	s10 =	sld [smem:$0x3FB8];
	_ =	sdelay $0x3  }
0x33: {  	p0 =	seq.s32 s10, $0x1;
	s10 =	sld [smem:$0x3FBA];
	_ =	sdelay $0x3  }
0x34: {  	[smem:$0x3FBA] =	sst s10  }
0x35: {  	s10 =	sld [smem:$0x3FB9];
	_ =	sdelay $0x3  }
0x36: {  	p1 =	seq.s32 s10, $0x1;
	s10 =	sld [smem:$0x3FBA];
	_ =	sdelay $0x3  }
0x37: {  	[smem:$0x3FBA] =	sst s10  }
0x38: {  	s10 =	sld [smem:$0x3FBB]  }
0x39: {  	_ = 	snop;
	(pc) =	sbr.ind lr, $3  }
0x3a: {  	_ = 	snop  }
0x3b: {  	_ = 	snop  }
0x3c: {  	p2 =	seq.s32 s10, $0x1;
	s10 =	sld [smem:$0x3FBA]  }
0x3d: {  	_ =	shalt  }
0x3e: {  	_ =	shalt  }
0x3f: {  	_ =	shalt  }
0x40: {  	_ =	shalt  }
0x41: {  	_ =	shalt  }
0x42: {  	_ =	shalt  }
0x43: {  	_ =	shalt  }
0x44: {  	_ =	shalt  }
0x45: {  	_ =	shalt  }
0x46: {  	_ =	shalt  }
0x47: {  	_ =	shalt  }
0x48: {  	_ =	shalt  }
0x49: {  	_ =	shalt  }
0x4a: {  	_ =	shalt  }
0x4b: {  	_ =	shalt  }
0x4c: {  	_ =	shalt  }
0x4d: {  	_ =	shalt  }
0x4e: {  	_ =	shalt  }
0x4f: {  	_ =	shalt  }
0x50: {  	_ =	shalt  }
0x51: {  	_ =	shalt  }
0x52: {  	_ =	shalt  }
0x53: {  	_ =	shalt  }
0x54: {  	_ =	shalt  }
0x55: {  	_ =	shalt  }
0x56: {  	_ =	shalt  }
0x57: {  	_ =	shalt  }
0x58: {  	_ =	shalt  }
0x59: {  	_ =	shalt  }
0x5a: {  	_ =	shalt  }
0x5b: {  	_ =	shalt  }
0x5c: {  	_ =	shalt  }
0x5d: {  	_ =	shalt  }
0x5e: {  	_ =	shalt  }
0x5f: {  	_ =	shalt  }
0x60: {  	_ =	shalt  }
0x61: {  	_ =	shalt  }
0x62: {  	_ =	shalt  }
0x63: {  	_ =	shalt  }
0x64: {  	_ =	shalt  }
0x65: {  	_ =	shalt  }
0x66: {  	_ =	shalt  }
0x67: {  	_ =	shalt  }
0x68: {  	_ =	shalt  }
0x69: {  	_ =	shalt  }
0x6a: {  	_ =	shalt  }
0x6b: {  	_ =	shalt  }
0x6c: {  	_ =	shalt  }
0x6d: {  	_ =	shalt  }
0x6e: {  	_ =	shalt  }
0x6f: {  	_ =	shalt  }
0x70: {  	_ =	shalt  }
0x71: {  	_ =	shalt  }
0x72: {  	_ =	shalt  }
0x73: {  	_ =	shalt  }
0x74: {  	_ =	shalt  }
0x75: {  	_ =	shalt  }
0x76: {  	_ =	shalt  }
0x77: {  	_ =	shalt  }
0x78: {  	_ =	shalt  }
0x79: {  	_ =	shalt  }
0x7a: {  	_ =	shalt  }
0x7b: {  	_ =	shalt  }
0x7c: {  	_ =	shalt  }
0x7d: {  	_ =	shalt  }
0x7e: {  	_ =	shalt  }
0x7f: {  	_ =	shalt  }
0x80: {  	_ =	shalt  }
0x81: {  	_ =	shalt  }
0x82: {  	_ =	shalt  }
0x83: {  	_ =	shalt  }
0x84: {  	_ =	shalt  }
0x85: {  	_ =	shalt  }
0x86: {  	_ =	shalt  }
0x87: {  	_ =	shalt  }
.Lfunc_end0:
.L_simem_size_0:
called_computation_lowered:
.L_overlay_start_0:
0x88: {  	s2 =	sld [smem:$0x3FD9]  }
0x89: {  	s3 =	sld [smem:$0x3FFE];
	_ =	sdelay $0x1  }
0x8a: {  	s1 =	srdreg.scid  }
0x8b: {  	s0 =	sand.u32 $0x1, s1  }
0x8c: {  	s18 =	sshll.u32 s0, $0xA;
	s2 =	sadd.s32 s3, s2  }
0x8d: {  	s2 =	sadd.s32 s2, s18  }
0x8e: {  	[smem:$0x3FC6] =	sst s2  }
0x8f: {  	_ = 	snop  }
0x90: {  	s2 =	sld [smem:$0x3FC9]  }
0x91: {  	s19 =	sld [smem:$0x3FC8]  }
0x92: {  	s4 =	sld [smem:$0x3FD0];
	(tm) =	ssettm $0x1  }
0x93: {  	s5 =	sld [smem:$0x3FFB];
	_ =	sdelay $0x3  }
0x94: {  	_ =	strace s5  }
0x95: {  	s5 =	sld [smem:$0x3FFC];
	_ =	sdelay $0x3  }
0x96: {  	_ =	strace s5  }
0x97: {  	s5 =	sld [smem:$0x3FFD];
	_ =	sdelay $0x3  }
0x98: {  	_ =	strace s5  }
0x99: {  	_ =	strace $0x8FFFFFFF  }
0x9a: {  	s20 =	sld [smem:$0x3FDB];
	_ =	sdelay $0x1  }
0x9b: {  	s6 =	simm.s32 $_scs_section_size  }
0x9c: {  	s7 =	simm.s32 $_size__tile_overlayer_lowered;
	s8 =	simm.s32 $_tile_overlayer_lowered  }
0x9d: {  	s23 =	simm.s32 $0x1BFF;
	s22 =	sshll.u32 s8, $0x1;
	s5 =	sadd.s32 s6, s20  }
0x9e: {  	s9 =	simm.s32 $0x0;
	s21 =	sshll.u32 s7, $0x1;
	s7 =	sadd.s32 s22, s5  }
0x9f: {  	[timem:s9], [sflag:s23] =	dma.local [hbm:s7], s21  }
0xa0: {  	_ =	swait.ge [sflag:s23], s21  }
0xa1: {  	s6 =	ssub.s32 $0x0, s21;
	[sflag:s23] =	ssyncset.done $0x0  }
0xa2: {  	[sflag:s23] =	ssyncadd.s32 s6;
	_ =	sdelay $0x1  }
0xa3: {  	s24 =	simm.s32 $0x1B8B  }
0xa4: {  	_ =	swait.ge [sflag:s24], $0x1  }
0xa5: {  	[sflag:s24] =	ssyncset.done $0x0  }
0xa6: {  	s25 =	simm.s32 $0x1B8E;
	[sflag:s24] =	ssyncadd.s32 $0xFFFFFFFF  }
0xa7: {  	s26 =	simm.s32 $execute0_lowered;
	[smem:$0x3FD2] =	sst s25  }
0xa8: {  	s6 =	sshll.u32 s26, $0x1;
	_ =	strace $0x80000046;
	[dreg:$0x1] =	wrdreg $0xFFFFFFFF  }
0xa9: {  	s28 =	simm.s32 $_size_execute0_lowered;
	s5 =	sadd.s32 s5, s6;
	[dreg:$0x0] =	wrdreg $0x0  }
0xaa: {  	s6 =	sshll.u32 s28, $0x1;
	[dreg:$0x2] =	wrdreg s5  }
0xab: {  	[dreg:$0x3] =	wrdreg s6  }
0xac: {  	[dreg:$0x4] =	wrdreg $0xC0  }
0xad: {  	_ =	task [dreg:s9], $0x5FFFF  }
0xae: {  	[dreg:$0x1] =	wrdreg $0xFFFFFFFF  }
0xaf: {  	[dreg:$0x0] =	wrdreg $0x60  }
0xb0: {  	[dreg:$0x2] =	wrdreg s2  }
0xb1: {  	[dreg:$0x3] =	wrdreg s19  }
0xb2: {  	[dreg:$0x4] =	wrdreg s4  }
0xb3: {  	[dreg:$0x5] =	wrdreg $0x9  }
0xb4: {  	_ =	task.clear_ibuf [dreg:s9], $0x6FFFF;
	_ =	strace $0x90000046  }
0xb5: {  	s29 =	simm.s32 $0x9;
	_ =	strace $0x80000048  }
0xb6: {  	_ =	swait.ge [sflag:s29], $0x1  }
0xb7: {  	[sflag:s29] =	ssyncadd.s32 $0xFFFFFFFF  }
0xb8: {  	_ =	strace $0x90000048  }
0xb9: {  	_ =	sfence  }
0xba: {  	s30 =	sld [smem:$0x0];
	_ =	sdelay $0x2  }
0xbb: {  	s31 =	sshll.u32 s1, $0xD;
	s1 =	sshrl.u32 s1, $0x2  }
0xbc: {  	s3 =	sand.u32 $0x4000, s31;
	s1 =	sadd.s32 s1, s30  }
0xbd: {  	s0 =	sor.u32 s3, s0;
	s1 =	sshll.u32 s1, $0x11  }
0xbe: {  	s0 =	sor.u32 s1, s0  }
0xbf: {  	s0 =	sadd.s32 $0x8F2B, s0  }
0xc0: {  	[sflag:s0] =	ssyncadd.remote.s32 $0x1  }
0xc1: {  	_ =	sfence.sel $0xFFFF  }
0xc2: {  	[dreg:$0x0] =	wrdreg $0xFFFFFFFF;
	(pc) =	sbr.abs _section_cstart, $3  }
0xc3: {  	[dreg:$0x1] =	wrdreg $0xFFFFFFFF  }
0xc4: {  	_ =	task.clear_ibuf [dreg:s9], $0x2FFFF;
	_ =	strace $0x9FFFFFFF  }
0xc5: {  	(tm) =	ssettm $0x7FFFFFFF  }
tec
execute0_lowered:
.L_overlay_start_1:
0x0: {  	(tag) =	ssettag $0x1  }
0x1: {  	s4 =	rddreg [dreg:$0x0]  }
0x2: {  	s1 =	rddreg [dreg:$0x1]  }
0x3: {  	s5 =	rddreg [dreg:$0x2];
	s2 =	srdreg.scid  }
0x4: {  	s0 =	rddreg [dreg:$0x3];
	s3 =	simm.s32 $0x0;
	s6 =	sand.u32 $0x1, s2  }
0x5: {  	[smem:$0x7FF] =	sst s3;
	s2 =	stileid.u32;
	s7 =	ssub.s32 $0x2, s6  }
0x6: {  	s9 =	sshll.u32 s2, $0xC;
	s6 =	sshll.u32 s6, $0xB;
	_ =	strace $0x80000047  }
0x7: {  	s8 =	sshrl.u32 s7, $0x1;
	s6 =	sor.u32 s6, s9;
	s9 =	simm.s32 $0x0  }
0x8: {  	s7 =	ssub.s32 s7, s8;
	s4 =	sadd.s32 s4, s6;
	s5 =	sadd.s32 s5, s6  }
0x9: {  	v0 =	vimm.s32 $0xFF;
	s8 =	simm.s32 $0x1;
	s6 =	smax.u32 s7, $0x1;
	s7 =	simm.s32 $0x4000  }
.LBB2_1:
0xa: {  	[tilespmem:s7], [sflag:$0x1] =	stream.linear.gather [hbm4b:s1+s3], $0x100, $0x38;
	[tilespmem:$0x4200] =	vst v63  }
0xb: {  	_ =	swait.ge [sflag:s8], $0x100  }
0xc: {  	[sflag:s8] =	ssyncset.done $0x0  }
0xd: {  	[sflag:s8] =	ssyncadd.s32 $0xFFFFFF00  }
0xe: {  	[tilespmem:s3], [sflag:$0x1] =	stream.linear.gather [hbm4b:s4+s3], $0x4000, $0x38;
	[tilespmem:$0x4200] =	vst v63  }
0xf: {  	_ =	swait.ge [sflag:s8], $0x4000  }
0x10: {  	[sflag:s8] =	ssyncset.done $0x0  }
0x11: {  	[sflag:s8] =	ssyncadd.s32 $0xFFFFC000  }
0x12: {  	v1 =	vld.idx.msk [tilespmem:v0+s7+$0x0], $0xffff;
	_ =	sdelay $0x4  }
0x13: {  	[tilespmem:$0x4100] =	vst v1  }
0x14: {  	[tilespmem:$0x4110] =	vst v1  }
0x15: {  	[tilespmem:$0x4120] =	vst v1  }
0x16: {  	[tilespmem:$0x4130] =	vst v1  }
0x17: {  	[tilespmem:$0x4140] =	vst v1  }
0x18: {  	[tilespmem:$0x4150] =	vst v1  }
0x19: {  	[tilespmem:$0x4160] =	vst v1  }
0x1a: {  	[tilespmem:$0x4170] =	vst v1  }
0x1b: {  	[tilespmem:$0x4180] =	vst v1  }
0x1c: {  	[tilespmem:$0x4190] =	vst v1  }
0x1d: {  	[tilespmem:$0x41A0] =	vst v1  }
0x1e: {  	[tilespmem:$0x41B0] =	vst v1  }
0x1f: {  	[tilespmem:$0x41C0] =	vst v1  }
0x20: {  	[tilespmem:$0x41D0] =	vst v1  }
0x21: {  	s10 =	sand.u32 $0x3F00, s3;
	s11 =	sand.u32 $0x60, s3;
	[tilespmem:$0x41E0] =	vst v1  }
0x22: {  	s10 =	sor.u32 s11, s10;
	[tilespmem:$0x41F0] =	vst v1  }
0x23: {  	v1 =	vld [tilespmem:s10+$0x90];
	_ =	sdelay $0x1  }
0x24: {  	v2 =	vld [tilespmem:s10+$0x10];
	_ =	sdelay $0x2  }
0x25: {  	v3 =	vshrl.u32 v1, $0x10  }
0x26: {  	v3 =	vand.u32 $0x1, v3  }
0x27: {  	v4 =	vshrl.u32 v2, $0x10;
	v1 =	vadd.s32 v3, v1  }
0x28: {  	v3 =	vand.u32 $0x1, v4;
	v1 =	vadd.s32 $0x7FFF, v1  }
0x29: {  	v2 =	vadd.s32 v3, v2;
	v1 =	vand.u32 $0xFFFF0000, v1  }
0x2a: {  	v2 =	vadd.s32 $0x7FFF, v2;
	v3 =	vmul.f32 $5.004882810e-02, v1  }
0x2b: {  	v2 =	vand.u32 $0xFFFF0000, v2  }
0x2c: {  	v2 =	vadd.f32 v2, v3;
	_ =	sdelay $0x1  }
0x2d: {  	v3 =	vmul.f32 $2.560000000e+02, v2;
	_ =	sdelay $0x1  }
0x2e: {  	v3 =	vadd.f32 $5.000000000e-01, v3;
	_ =	sdelay $0x1  }
0x2f: {  	v3 =	vtrunc.f32 v3  }
0x30: {  	v3 =	vcvt.f32.s32 v3;
	_ =	sdelay $0x1  }
0x31: {  	v4 =	vld [tilespmem:s10+$0x80];
	_ =	sdelay $0x1  }
0x32: {  	v5 =	vld [tilespmem:s10+$0x0];
	_ =	sdelay $0x1  }
0x33: {  	v3 =	vld.idx.msk [tilespmem:v3+s7+$0x0], $0xffff  }
0x34: {  	v6 =	vshrl.u32 v4, $0x10  }
0x35: {  	v6 =	vand.u32 $0x1, v6  }
0x36: {  	v4 =	vadd.s32 v6, v4;
	v6 =	vshrl.u32 v5, $0x10  }
0x37: {  	v4 =	vadd.s32 $0x7FFF, v4;
	v6 =	vand.u32 $0x1, v6  }
0x38: {  	v4 =	vand.u32 $0xFFFF0000, v4;
	v5 =	vadd.s32 v6, v5;
	v3 =	vmul.f32 $5.000000070e-02, v3  }
0x39: {  	v5 =	vadd.s32 $0x7FFF, v5;
	v6 =	vmul.f32 $5.004882810e-02, v4  }
0x3a: {  	v5 =	vand.u32 $0xFFFF0000, v5;
	v1 =	vadd.f32 v1, v3  }
0x3b: {  	v3 =	vadd.f32 v5, v6  }
0x3c: {  	v5 =	vmul.f32 $5.000000070e-02, v1  }
0x3d: {  	v6 =	vmul.f32 $2.560000000e+02, v3  }
0x3e: {  	v2 =	vadd.f32 v5, v2  }
0x3f: {  	v5 =	vadd.f32 $5.000000000e-01, v6  }
0x40: {  	v6 =	vmul.f32 $2.560000000e+02, v2  }
0x41: {  	v5 =	vtrunc.f32 v5  }
0x42: {  	v5 =	vcvt.f32.s32 v5;
	v6 =	vadd.f32 $5.000000000e-01, v6;
	_ =	sdelay $0x1  }
0x43: {  	v6 =	vtrunc.f32 v6  }
0x44: {  	v6 =	vcvt.f32.s32 v6  }
0x45: {  	s26 =	simm.s32 $0x20;
	s12 =	simm.s32 $0x40  }
0x46: {  	s12 =	sand.u32 $0x3F00, s12;
	s11 =	sand.u32 $0x60, s26  }
0x47: {  	s11 =	sor.u32 s11, s12;
	v5 =	vld.idx.msk [tilespmem:v5+s7+$0x0], $0xffff  }
0x48: {  	v7 =	vld [tilespmem:s11+$0x90]  }
0x49: {  	v8 =	vld [tilespmem:s11+$0x10]  }
0x4a: {  	v6 =	vld.idx.msk [tilespmem:v6+s7+$0x0], $0xffff;
	_ =	sdelay $0x1  }
0x4b: {  	v5 =	vmul.f32 $5.000000070e-02, v5  }
0x4c: {  	v9 =	vshrl.u32 v7, $0x10  }
0x4d: {  	v4 =	vadd.f32 v4, v5;
	v5 =	vand.u32 $0x1, v9  }
0x4e: {  	v9 =	vshrl.u32 v8, $0x10;
	v5 =	vadd.s32 v5, v7;
	v6 =	vmul.f32 $5.000000070e-02, v6  }
0x4f: {  	v9 =	vand.u32 $0x1, v9;
	v7 =	vmul.f32 $5.000000070e-02, v4;
	v5 =	vadd.s32 $0x7FFF, v5  }
0x50: {  	v8 =	vadd.s32 v9, v8;
	v5 =	vand.u32 $0xFFFF0000, v5;
	v1 =	vadd.f32 v1, v6  }
0x51: {  	v6 =	vadd.s32 $0x7FFF, v8;
	v8 =	vmul.f32 $5.004882810e-02, v5  }
0x52: {  	v3 =	vadd.f32 v7, v3;
	v6 =	vand.u32 $0xFFFF0000, v6;
	v7 =	vmul.f32 $5.000000070e-02, v1  }
0x53: {  	v6 =	vadd.f32 v6, v8  }
0x54: {  	v8 =	vmul.f32 $2.560000000e+02, v3;
	v2 =	vadd.f32 v7, v2  }
0x55: {  	v7 =	vld [tilespmem:s11+$0x80];
	v9 =	vmul.f32 $2.560000000e+02, v6  }
0x56: {  	v8 =	vadd.f32 $5.000000000e-01, v8;
	v10 =	vmul.f32 $2.560000000e+02, v2  }
0x57: {  	v11 =	vld [tilespmem:s11+$0x0];
	v9 =	vadd.f32 $5.000000000e-01, v9  }
0x58: {  	v8 =	vtrunc.f32 v8;
	v10 =	vadd.f32 $5.000000000e-01, v10  }
0x59: {  	v8 =	vcvt.f32.s32 v8;
	v9 =	vtrunc.f32 v9  }
0x5a: {  	v12 =	vshrl.u32 v7, $0x10;
	v9 =	vcvt.f32.s32 v9;
	v10 =	vtrunc.f32 v10  }
0x5b: {  	v12 =	vand.u32 $0x1, v12;
	v10 =	vcvt.f32.s32 v10  }
0x5c: {  	v7 =	vadd.s32 v12, v7;
	v12 =	vshrl.u32 v11, $0x10  }
0x5d: {  	v7 =	vadd.s32 $0x7FFF, v7;
	v12 =	vand.u32 $0x1, v12  }
0x5e: {  	v7 =	vand.u32 $0xFFFF0000, v7;
	v11 =	vadd.s32 v12, v11  }
0x5f: {  	v8 =	vld.idx.msk [tilespmem:v8+s7+$0x0], $0xffff;
	v11 =	vadd.s32 $0x7FFF, v11;
	v12 =	vmul.f32 $5.004882810e-02, v7  }
0x60: {  	v11 =	vand.u32 $0xFFFF0000, v11;
	v9 =	vld.idx.msk [tilespmem:v9+s7+$0x0], $0xffff  }
0x61: {  	v11 =	vadd.f32 v11, v12;
	v10 =	vld.idx.msk [tilespmem:v10+s7+$0x0], $0xffff;
	_ =	sdelay $0x1  }
0x62: {  	v12 =	vmul.f32 $2.560000000e+02, v11  }
0x63: {  	v8 =	vmul.f32 $5.000000070e-02, v8  }
0x64: {  	v12 =	vadd.f32 $5.000000000e-01, v12;
	v9 =	vmul.f32 $5.000000070e-02, v9  }
0x65: {  	v4 =	vadd.f32 v4, v8;
	v8 =	vmul.f32 $5.000000070e-02, v10  }
0x66: {  	v10 =	vtrunc.f32 v12;
	v5 =	vadd.f32 v5, v9  }
0x67: {  	v9 =	vmul.f32 $5.000000070e-02, v4;
	v10 =	vcvt.f32.s32 v10;
	v1 =	vadd.f32 v1, v8  }
0x68: {  	v8 =	vmul.f32 $5.000000070e-02, v5  }
0x69: {  	v3 =	vadd.f32 v9, v3;
	v9 =	vmul.f32 $5.000000070e-02, v1  }
0x6a: {  	v6 =	vadd.f32 v8, v6  }
0x6b: {  	v8 =	vmul.f32 $2.560000000e+02, v3;
	v2 =	vadd.f32 v9, v2  }
0x6c: {  	v9 =	vmul.f32 $2.560000000e+02, v6  }
0x6d: {  	v8 =	vadd.f32 $5.000000000e-01, v8;
	v10 =	vld.idx.msk [tilespmem:v10+s7+$0x0], $0xffff;
	v12 =	vmul.f32 $2.560000000e+02, v2  }
0x6e: {  	v9 =	vadd.f32 $5.000000000e-01, v9  }
0x6f: {  	v8 =	vtrunc.f32 v8;
	v12 =	vadd.f32 $5.000000000e-01, v12  }
0x70: {  	v8 =	vcvt.f32.s32 v8;
	v9 =	vtrunc.f32 v9  }
0x71: {  	v9 =	vcvt.f32.s32 v9;
	v12 =	vtrunc.f32 v12  }
0x72: {  	v10 =	vmul.f32 $5.000000070e-02, v10;
	v12 =	vcvt.f32.s32 v12;
	_ =	sdelay $0x1  }
0x73: {  	v7 =	vadd.f32 v7, v10;
	_ =	sdelay $0x1  }
0x74: {  	s28 =	simm.s32 $0x40;
	s13 =	simm.s32 $0x80;
	v8 =	vld.idx.msk [tilespmem:v8+s7+$0x0], $0xffff;
	v10 =	vmul.f32 $5.000000070e-02, v7  }
0x75: {  	s13 =	sand.u32 $0x3F00, s13;
	s12 =	sand.u32 $0x60, s28;
	v9 =	vld.idx.msk [tilespmem:v9+s7+$0x0], $0xffff  }
0x76: {  	s12 =	sor.u32 s12, s13;
	v10 =	vadd.f32 v10, v11;
	v11 =	vld.idx.msk [tilespmem:v12+s7+$0x0], $0xffff  }
0x77: {  	v12 =	vld [tilespmem:s12+$0x90]  }
0x78: {  	v13 =	vld [tilespmem:s12+$0x10];
	v14 =	vmul.f32 $2.560000000e+02, v10  }
0x79: {  	v8 =	vmul.f32 $5.000000070e-02, v8  }
0x7a: {  	v14 =	vadd.f32 $5.000000000e-01, v14;
	v9 =	vmul.f32 $5.000000070e-02, v9  }
0x7b: {  	v4 =	vadd.f32 v4, v8;
	v8 =	vmul.f32 $5.000000070e-02, v11  }
0x7c: {  	v11 =	vtrunc.f32 v14;
	v14 =	vshrl.u32 v12, $0x10;
	v5 =	vadd.f32 v5, v9  }
0x7d: {  	v15 =	vshrl.u32 v13, $0x10;
	v9 =	vld [tilespmem:s12+$0x80];
	v14 =	vand.u32 $0x1, v14;
	v1 =	vadd.f32 v1, v8  }
0x7e: {  	v8 =	vcvt.f32.s32 v11;
	v11 =	vadd.s32 v14, v12;
	v12 =	vmul.f32 $5.000000070e-02, v5  }
0x7f: {  	v14 =	vand.u32 $0x1, v15;
	v11 =	vadd.s32 $0x7FFF, v11;
	v15 =	vmul.f32 $5.000000070e-02, v1  }
0x80: {  	v16 =	vld [tilespmem:s12+$0x0];
	v13 =	vadd.s32 v14, v13;
	v11 =	vand.u32 $0xFFFF0000, v11;
	v6 =	vadd.f32 v12, v6  }
0x81: {  	v12 =	vadd.s32 $0x7FFF, v13;
	v13 =	vmul.f32 $5.004882810e-02, v11;
	v2 =	vadd.f32 v15, v2  }
0x82: {  	v14 =	vshrl.u32 v9, $0x10;
	v12 =	vand.u32 $0xFFFF0000, v12;
	v15 =	vmul.f32 $2.560000000e+02, v6  }
0x83: {  	v14 =	vand.u32 $0x1, v14;
	v12 =	vadd.f32 v12, v13;
	v17 =	vmul.f32 $2.560000000e+02, v2  }
0x84: {  	v9 =	vadd.s32 v14, v9;
	v14 =	vadd.f32 $5.000000000e-01, v15  }
0x85: {  	v15 =	vshrl.u32 v16, $0x10;
	v18 =	vmul.f32 $2.560000000e+02, v12;
	v17 =	vadd.f32 $5.000000000e-01, v17  }
0x86: {  	v13 =	vmul.f32 $5.000000070e-02, v4;
	v15 =	vand.u32 $0x1, v15;
	v14 =	vtrunc.f32 v14  }
0x87: {  	v8 =	vld.idx.msk [tilespmem:v8+s7+$0x0], $0xffff;
	v18 =	vadd.f32 $5.000000000e-01, v18;
	v14 =	vcvt.f32.s32 v14;
	v17 =	vtrunc.f32 v17  }
0x88: {  	v9 =	vadd.s32 $0x7FFF, v9;
	v15 =	vadd.s32 v15, v16;
	v16 =	vcvt.f32.s32 v17  }
0x89: {  	v9 =	vand.u32 $0xFFFF0000, v9;
	v3 =	vadd.f32 v13, v3;
	v18 =	vtrunc.f32 v18  }
0x8a: {  	v15 =	vadd.s32 $0x7FFF, v15;
	v17 =	vmul.f32 $5.004882810e-02, v9;
	v18 =	vcvt.f32.s32 v18  }
0x8b: {  	v15 =	vand.u32 $0xFFFF0000, v15  }
0x8c: {  	v8 =	vmul.f32 $5.000000070e-02, v8;
	v13 =	vadd.f32 v15, v17;
	v15 =	vmul.f32 $2.560000000e+02, v3  }
0x8d: {  	v14 =	vld.idx.msk [tilespmem:v14+s7+$0x0], $0xffff  }
0x8e: {  	v7 =	vadd.f32 v7, v8;
	v17 =	vmul.f32 $2.560000000e+02, v13;
	v15 =	vadd.f32 $5.000000000e-01, v15;
	v8 =	vld.idx.msk [tilespmem:v16+s7+$0x0], $0xffff;
	_ =	sdelay $0x1  }
0x8f: {  	v16 =	vadd.f32 $5.000000000e-01, v17;
	v17 =	vmul.f32 $5.000000070e-02, v7;
	v15 =	vtrunc.f32 v15;
	v18 =	vld.idx.msk [tilespmem:v18+s7+$0x0], $0xffff  }
0x90: {  	v15 =	vcvt.f32.s32 v15  }
0x91: {  	v16 =	vtrunc.f32 v16;
	v10 =	vadd.f32 v17, v10;
	v14 =	vmul.f32 $5.000000070e-02, v14  }
0x92: {  	v16 =	vcvt.f32.s32 v16;
	v8 =	vmul.f32 $5.000000070e-02, v8  }
0x93: {  	v5 =	vadd.f32 v5, v14;
	v14 =	vmul.f32 $2.560000000e+02, v10  }
0x94: {  	v1 =	vadd.f32 v1, v8;
	v8 =	vmul.f32 $5.000000070e-02, v18  }
0x95: {  	v17 =	vmul.f32 $5.000000070e-02, v5;
	v14 =	vadd.f32 $5.000000000e-01, v14  }
0x96: {  	v18 =	vmul.f32 $5.000000070e-02, v1;
	v8 =	vadd.f32 v11, v8  }
0x97: {  	v11 =	vld.idx.msk [tilespmem:v15+s7+$0x0], $0xffff;
	v6 =	vadd.f32 v17, v6;
	v14 =	vtrunc.f32 v14  }
0x98: {  	v15 =	vld.idx.msk [tilespmem:v16+s7+$0x0], $0xffff;
	v14 =	vcvt.f32.s32 v14;
	v2 =	vadd.f32 v18, v2;
	v16 =	vmul.f32 $5.000000070e-02, v8  }
0x99: {  	v17 =	vmul.f32 $2.560000000e+02, v6  }
0x9a: {  	v18 =	vmul.f32 $2.560000000e+02, v2;
	v12 =	vadd.f32 v16, v12  }
0x9b: {  	v16 =	vadd.f32 $5.000000000e-01, v17  }
0x9c: {  	v17 =	vadd.f32 $5.000000000e-01, v18;
	v18 =	vmul.f32 $2.560000000e+02, v12  }
0x9d: {  	v11 =	vmul.f32 $5.000000070e-02, v11;
	v16 =	vtrunc.f32 v16  }
0x9e: {  	v15 =	vmul.f32 $5.000000070e-02, v15;
	v16 =	vcvt.f32.s32 v16;
	v14 =	vld.idx.msk [tilespmem:v14+s7+$0x0], $0xffff;
	v18 =	vadd.f32 $5.000000000e-01, v18  }
0x9f: {  	v4 =	vadd.f32 v4, v11;
	v17 =	vtrunc.f32 v17  }
0xa0: {  	v9 =	vadd.f32 v9, v15;
	v17 =	vcvt.f32.s32 v17;
	v11 =	vtrunc.f32 v18  }
0xa1: {  	v11 =	vcvt.f32.s32 v11  }
0xa2: {  	s29 =	simm.s32 $0x60;
	s14 =	simm.s32 $0xC0;
	v15 =	vmul.f32 $5.000000070e-02, v4;
	v18 =	vmul.f32 $5.000000070e-02, v9  }
0xa3: {  	s14 =	sand.u32 $0x3F00, s14;
	s13 =	sand.u32 $0x60, s29;
	v14 =	vmul.f32 $5.000000070e-02, v14  }
0xa4: {  	s13 =	sor.u32 s13, s14;
	v3 =	vadd.f32 v15, v3;
	v13 =	vadd.f32 v18, v13;
	v15 =	vld.idx.msk [tilespmem:v16+s7+$0x0], $0xffff  }
0xa5: {  	v7 =	vadd.f32 v7, v14;
	v14 =	vld [tilespmem:s13+$0x90]  }
0xa6: {  	v18 =	vmul.f32 $2.560000000e+02, v13;
	v16 =	vld.idx.msk [tilespmem:v17+s7+$0x0], $0xffff;
	v17 =	vmul.f32 $2.560000000e+02, v3  }
0xa7: {  	v11 =	vld.idx.msk [tilespmem:v11+s7+$0x0], $0xffff  }
0xa8: {  	v19 =	vld [tilespmem:s13+$0x10];
	v20 =	vmul.f32 $5.000000070e-02, v7;
	v18 =	vadd.f32 $5.000000000e-01, v18;
	v17 =	vadd.f32 $5.000000000e-01, v17  }
0xa9: {  	v15 =	vmul.f32 $5.000000070e-02, v15  }
0xaa: {  	v10 =	vadd.f32 v20, v10;
	v18 =	vtrunc.f32 v18;
	v17 =	vtrunc.f32 v17  }
0xab: {  	v20 =	vshrl.u32 v14, $0x10;
	v16 =	vmul.f32 $5.000000070e-02, v16;
	v5 =	vadd.f32 v5, v15  }
0xac: {  	v18 =	vcvt.f32.s32 v18;
	v15 =	vand.u32 $0x1, v20;
	v11 =	vmul.f32 $5.000000070e-02, v11  }
0xad: {  	v20 =	vshrl.u32 v19, $0x10;
	v1 =	vadd.f32 v1, v16;
	v16 =	vmul.f32 $5.000000070e-02, v5  }
0xae: {  	v14 =	vadd.s32 v15, v14;
	v15 =	vand.u32 $0x1, v20;
	v8 =	vadd.f32 v8, v11  }
0xaf: {  	v14 =	vadd.s32 $0x7FFF, v14;
	v15 =	vadd.s32 v15, v19;
	v11 =	vld [tilespmem:s13+$0x80];
	v6 =	vadd.f32 v16, v6  }
0xb0: {  	v14 =	vand.u32 $0xFFFF0000, v14;
	v20 =	vmul.f32 $5.000000070e-02, v1;
	v16 =	vmul.f32 $5.000000070e-02, v8  }
0xb1: {  	v15 =	vadd.s32 $0x7FFF, v15;
	v19 =	vmul.f32 $5.004882810e-02, v14;
	v21 =	vmul.f32 $2.560000000e+02, v6  }
0xb2: {  	v22 =	vld [tilespmem:s13+$0x0];
	v15 =	vand.u32 $0xFFFF0000, v15;
	v2 =	vadd.f32 v20, v2;
	v12 =	vadd.f32 v16, v12  }
0xb3: {  	v15 =	vadd.f32 v15, v19;
	v16 =	vcvt.f32.s32 v17;
	v17 =	vadd.f32 $5.000000000e-01, v21  }
0xb4: {  	v20 =	vmul.f32 $2.560000000e+02, v2;
	v19 =	vshrl.u32 v11, $0x10;
	v21 =	vmul.f32 $2.560000000e+02, v12  }
0xb5: {  	v23 =	vmul.f32 $2.560000000e+02, v15;
	v19 =	vand.u32 $0x1, v19;
	v17 =	vtrunc.f32 v17  }
0xb6: {  	v18 =	vld.idx.msk [tilespmem:v18+s7+$0x0], $0xffff;
	v11 =	vadd.s32 v19, v11;
	v17 =	vcvt.f32.s32 v17;
	v19 =	vadd.f32 $5.000000000e-01, v21  }
0xb7: {  	v23 =	vadd.f32 $5.000000000e-01, v23;
	v11 =	vadd.s32 $0x7FFF, v11;
	v21 =	vshrl.u32 v22, $0x10  }
0xb8: {  	v21 =	vand.u32 $0x1, v21;
	v11 =	vand.u32 $0xFFFF0000, v11;
	v19 =	vtrunc.f32 v19  }
0xb9: {  	v16 =	vld.idx.msk [tilespmem:v16+s7+$0x0], $0xffff;
	v21 =	vadd.s32 v21, v22;
	v22 =	vtrunc.f32 v23;
	v19 =	vcvt.f32.s32 v19  }
0xba: {  	v23 =	vmul.f32 $5.004882810e-02, v11;
	v21 =	vadd.s32 $0x7FFF, v21;
	v22 =	vcvt.f32.s32 v22  }
0xbb: {  	v20 =	vadd.f32 $5.000000000e-01, v20;
	v18 =	vmul.f32 $5.000000070e-02, v18;
	v21 =	vand.u32 $0xFFFF0000, v21  }
0xbc: {  	v21 =	vadd.f32 v21, v23;
	v23 =	vmul.f32 $2.560000000e+02, v10;
	v17 =	vld.idx.msk [tilespmem:v17+s7+$0x0], $0xffff  }
0xbd: {  	v20 =	vtrunc.f32 v20;
	v9 =	vadd.f32 v9, v18  }
0xbe: {  	v16 =	vmul.f32 $5.000000070e-02, v16;
	v18 =	vmul.f32 $2.560000000e+02, v21;
	v23 =	vadd.f32 $5.000000000e-01, v23  }
0xbf: {  	v20 =	vcvt.f32.s32 v20;
	v24 =	vmul.f32 $5.000000070e-02, v9;
	v19 =	vld.idx.msk [tilespmem:v19+s7+$0x0], $0xffff  }
0xc0: {  	v16 =	vadd.f32 v4, v16;
	v4 =	vadd.f32 $5.000000000e-01, v18;
	v18 =	vtrunc.f32 v23;
	v22 =	vld.idx.msk [tilespmem:v22+s7+$0x0], $0xffff  }
0xc1: {  	v13 =	vadd.f32 v24, v13;
	v18 =	vcvt.f32.s32 v18;
	v17 =	vmul.f32 $5.000000070e-02, v17  }
0xc2: {  	v23 =	vmul.f32 $5.000000070e-02, v16  }
0xc3: {  	v24 =	vmul.f32 $2.560000000e+02, v13;
	v4 =	vtrunc.f32 v4;
	v17 =	vadd.f32 v5, v17  }
0xc4: {  	v4 =	vcvt.f32.s32 v4;
	v5 =	vadd.f32 v23, v3;
	v3 =	vmul.f32 $5.000000070e-02, v19  }
0xc5: {  	v19 =	vld.idx.msk [tilespmem:v20+s7+$0x0], $0xffff;
	v20 =	vadd.f32 $5.000000000e-01, v24;
	v22 =	vmul.f32 $5.000000070e-02, v22  }
0xc6: {  	v23 =	vmul.f32 $5.000000070e-02, v17;
	v24 =	vmul.f32 $2.560000000e+02, v5;
	v8 =	vadd.f32 v8, v3  }
0xc7: {  	v3 =	vtrunc.f32 v20;
	v18 =	vld.idx.msk [tilespmem:v18+s7+$0x0], $0xffff;
	v14 =	vadd.f32 v14, v22  }
0xc8: {  	v20 =	vadd.f32 v23, v6;
	v6 =	vadd.f32 $5.000000000e-01, v24;
	v22 =	vmul.f32 $5.000000070e-02, v8  }
0xc9: {  	v3 =	vcvt.f32.s32 v3;
	v23 =	vmul.f32 $5.000000070e-02, v14  }
0xca: {  	v24 =	vmul.f32 $2.560000000e+02, v20;
	v4 =	vld.idx.msk [tilespmem:v4+s7+$0x0], $0xffff;
	v6 =	vtrunc.f32 v6;
	v12 =	vadd.f32 v22, v12  }
0xcb: {  	v6 =	vcvt.f32.s32 v6;
	v15 =	vadd.f32 v23, v15  }
0xcc: {  	v22 =	vadd.f32 $5.000000000e-01, v24;
	v18 =	vmul.f32 $5.000000070e-02, v18;
	v23 =	vmul.f32 $2.560000000e+02, v12  }
0xcd: {  	v19 =	vmul.f32 $5.000000070e-02, v19;
	v24 =	vmul.f32 $2.560000000e+02, v15  }
0xce: {  	v22 =	vtrunc.f32 v22;
	v7 =	vadd.f32 v7, v18;
	v18 =	vadd.f32 $5.000000000e-01, v23  }
0xcf: {  	v22 =	vcvt.f32.s32 v22;
	v3 =	vld.idx.msk [tilespmem:v3+s7+$0x0], $0xffff;
	v4 =	vmul.f32 $5.000000070e-02, v4  }
0xd0: {  	s30 =	simm.s32 $0x80;
	s15 =	simm.s32 $0x100;
	v1 =	vadd.f32 v1, v19;
	v19 =	vadd.f32 $5.000000000e-01, v24;
	v18 =	vtrunc.f32 v18  }
0xd1: {  	s15 =	sand.u32 $0x3F00, s15;
	s14 =	sand.u32 $0x60, s30;
	v23 =	vmul.f32 $5.000000070e-02, v7;
	v11 =	vadd.f32 v11, v4;
	v18 =	vcvt.f32.s32 v18  }
0xd2: {  	s14 =	sor.u32 s14, s15;
	v4 =	vmul.f32 $5.000000070e-02, v1;
	v24 =	vld.idx.msk [tilespmem:v6+s7+$0x0], $0xffff;
	v6 =	vtrunc.f32 v19  }
0xd3: {  	v26 =	vld [tilespmem:s14+$0x10];
	v10 =	vadd.f32 v23, v10;
	v19 =	vmul.f32 $5.000000070e-02, v11;
	v23 =	vcvt.f32.s32 v6  }
0xd4: {  	v4 =	vadd.f32 v4, v2;
	v2 =	vmul.f32 $5.000000070e-02, v3  }
0xd5: {  	v3 =	vmul.f32 $2.560000000e+02, v10;
	v22 =	vld.idx.msk [tilespmem:v22+s7+$0x0], $0xffff;
	v19 =	vadd.f32 v19, v21  }
0xd6: {  	v21 =	vld [tilespmem:s14+$0x90];
	v25 =	vmul.f32 $2.560000000e+02, v4;
	v6 =	vadd.f32 v9, v2  }
0xd7: {  	v2 =	vadd.f32 $5.000000000e-01, v3;
	v3 =	vmul.f32 $5.000000070e-02, v24;
	v9 =	vmul.f32 $2.560000000e+02, v19;
	v18 =	vld.idx.msk [tilespmem:v18+s7+$0x0], $0xffff  }
0xd8: {  	v28 =	vshrl.u32 v26, $0x10;
	v24 =	vadd.f32 $5.000000000e-01, v25;
	v25 =	vmul.f32 $5.000000070e-02, v6  }
0xd9: {  	v27 =	vtrunc.f32 v2;
	v2 =	vadd.f32 v16, v3;
	v9 =	vadd.f32 $5.000000000e-01, v9;
	v16 =	vld.idx.msk [tilespmem:v23+s7+$0x0], $0xffff  }
0xda: {  	v23 =	vcvt.f32.s32 v27;
	v3 =	vadd.f32 v25, v13;
	v22 =	vmul.f32 $5.000000070e-02, v22  }
0xdb: {  	v13 =	vshrl.u32 v21, $0x10;
	v25 =	vmul.f32 $5.000000070e-02, v2;
	v9 =	vtrunc.f32 v9  }
0xdc: {  	v27 =	vld [tilespmem:s14+$0x80];
	v13 =	vand.u32 $0x1, v13;
	v17 =	vadd.f32 v17, v22;
	v18 =	vmul.f32 $5.000000070e-02, v18  }
0xdd: {  	v9 =	vcvt.f32.s32 v9;
	v13 =	vadd.s32 v13, v21;
	v21 =	vand.u32 $0x1, v28  }
0xde: {  	v13 =	vadd.s32 $0x7FFF, v13;
	v16 =	vmul.f32 $5.000000070e-02, v16;
	v8 =	vadd.f32 v8, v18  }
0xdf: {  	v21 =	vadd.s32 v21, v26;
	v26 =	vld [tilespmem:s14+$0x0];
	v13 =	vand.u32 $0xFFFF0000, v13;
	v18 =	vmul.f32 $5.000000070e-02, v17  }
0xe0: {  	v21 =	vadd.s32 $0x7FFF, v21;
	v14 =	vadd.f32 v14, v16;
	v16 =	vmul.f32 $5.000000070e-02, v8  }
0xe1: {  	v22 =	vshrl.u32 v27, $0x10;
	v21 =	vand.u32 $0xFFFF0000, v21;
	v18 =	vadd.f32 v18, v20  }
0xe2: {  	v20 =	vand.u32 $0x1, v22;
	v22 =	vmul.f32 $5.000000070e-02, v14;
	v12 =	vadd.f32 v16, v12  }
0xe3: {  	v20 =	vadd.s32 v20, v27;
	v27 =	vmul.f32 $5.004882810e-02, v13;
	v16 =	vmul.f32 $2.560000000e+02, v18  }
0xe4: {  	v28 =	vshrl.u32 v26, $0x10;
	v15 =	vadd.f32 v22, v15;
	v22 =	vmul.f32 $2.560000000e+02, v12  }
0xe5: {  	v28 =	vand.u32 $0x1, v28;
	v21 =	vadd.f32 v21, v27;
	v16 =	vadd.f32 $5.000000000e-01, v16  }
0xe6: {  	v20 =	vadd.s32 $0x7FFF, v20;
	v27 =	vmul.f32 $2.560000000e+02, v15;
	v22 =	vadd.f32 $5.000000000e-01, v22  }
0xe7: {  	v9 =	vld.idx.msk [tilespmem:v9+s7+$0x0], $0xffff;
	v26 =	vadd.s32 v28, v26;
	v29 =	vmul.f32 $2.560000000e+02, v21;
	v16 =	vtrunc.f32 v16  }
0xe8: {  	v23 =	vld.idx.msk [tilespmem:v23+s7+$0x0], $0xffff;
	v27 =	vadd.f32 $5.000000000e-01, v27;
	v16 =	vcvt.f32.s32 v16;
	v22 =	vtrunc.f32 v22  }
0xe9: {  	v20 =	vand.u32 $0xFFFF0000, v20;
	v28 =	vadd.f32 $5.000000000e-01, v29;
	v22 =	vcvt.f32.s32 v22  }
0xea: {  	v26 =	vadd.s32 $0x7FFF, v26;
	v29 =	vmul.f32 $5.004882810e-02, v20;
	v27 =	vtrunc.f32 v27  }
0xeb: {  	v26 =	vand.u32 $0xFFFF0000, v26;
	v28 =	vtrunc.f32 v28;
	v27 =	vcvt.f32.s32 v27  }
0xec: {  	v9 =	vmul.f32 $5.000000070e-02, v9;
	v26 =	vadd.f32 v26, v29;
	v28 =	vcvt.f32.s32 v28  }
0xed: {  	v25 =	vadd.f32 v25, v5;
	v23 =	vmul.f32 $5.000000070e-02, v23;
	v29 =	vmul.f32 $2.560000000e+02, v3  }
0xee: {  	v5 =	vtrunc.f32 v24;
	v11 =	vadd.f32 v11, v9;
	v24 =	vmul.f32 $2.560000000e+02, v26;
	v16 =	vld.idx.msk [tilespmem:v16+s7+$0x0], $0xffff  }
0xef: {  	v7 =	vadd.f32 v7, v23;
	v23 =	vmul.f32 $2.560000000e+02, v25;
	v9 =	vadd.f32 $5.000000000e-01, v29;
	v22 =	vld.idx.msk [tilespmem:v22+s7+$0x0], $0xffff  }
0xf0: {  	v29 =	vcvt.f32.s32 v5;
	v5 =	vadd.f32 $5.000000000e-01, v24;
	v24 =	vmul.f32 $5.000000070e-02, v11  }
0xf1: {  	v30 =	vmul.f32 $5.000000070e-02, v7;
	v23 =	vadd.f32 $5.000000000e-01, v23;
	v9 =	vtrunc.f32 v9;
	v27 =	vld.idx.msk [tilespmem:v27+s7+$0x0], $0xffff  }
0xf2: {  	v9 =	vcvt.f32.s32 v9;
	v5 =	vtrunc.f32 v5;
	v19 =	vadd.f32 v24, v19;
	v28 =	vld.idx.msk [tilespmem:v28+s7+$0x0], $0xffff  }
0xf3: {  	v24 =	vcvt.f32.s32 v5;
	v5 =	vadd.f32 v30, v10;
	v10 =	vmul.f32 $5.000000070e-02, v16  }
0xf4: {  	v23 =	vtrunc.f32 v23;
	v22 =	vmul.f32 $5.000000070e-02, v22  }
0xf5: {  	v16 =	vmul.f32 $2.560000000e+02, v19;
	v30 =	vmul.f32 $2.560000000e+02, v5;
	v10 =	vadd.f32 v17, v10  }
0xf6: {  	v17 =	vcvt.f32.s32 v23;
	v23 =	vmul.f32 $5.000000070e-02, v27;
	v8 =	vadd.f32 v8, v22  }
0xf7: {  	v16 =	vadd.f32 $5.000000000e-01, v16;
	v27 =	vmul.f32 $5.000000070e-02, v28;
	v22 =	vmul.f32 $5.000000070e-02, v10  }
0xf8: {  	v28 =	vadd.f32 $5.000000000e-01, v30;
	v23 =	vadd.f32 v14, v23;
	v14 =	vmul.f32 $5.000000070e-02, v8  }
0xf9: {  	v30 =	vld.idx.msk [tilespmem:v9+s7+$0x0], $0xffff;
	v16 =	vtrunc.f32 v16;
	v13 =	vadd.f32 v13, v27;
	v9 =	vadd.f32 v22, v18  }
0xfa: {  	v16 =	vcvt.f32.s32 v16;
	v18 =	vmul.f32 $5.000000070e-02, v23;
	v22 =	vadd.f32 v14, v12  }
0xfb: {  	v24 =	vld.idx.msk [tilespmem:v24+s7+$0x0], $0xffff;
	v12 =	vmul.f32 $2.560000000e+02, v9;
	v14 =	vmul.f32 $5.000000070e-02, v13  }
0xfc: {  	v27 =	vtrunc.f32 v28;
	v28 =	vld.idx.msk [tilespmem:v29+s7+$0x0], $0xffff;
	v15 =	vadd.f32 v18, v15;
	v18 =	vmul.f32 $2.560000000e+02, v22  }
0xfd: {  	v27 =	vcvt.f32.s32 v27;
	v12 =	vadd.f32 $5.000000000e-01, v12;
	v29 =	vadd.f32 v14, v21  }
0xfe: {  	v14 =	vld.idx.msk [tilespmem:v17+s7+$0x0], $0xffff;
	v17 =	vmul.f32 $5.000000070e-02, v30;
	v21 =	vmul.f32 $2.560000000e+02, v15;
	v18 =	vadd.f32 $5.000000000e-01, v18  }
0xff: {  	v12 =	vtrunc.f32 v12;
	v30 =	vmul.f32 $2.560000000e+02, v29  }
0x100: {  	v16 =	vld.idx.msk [tilespmem:v16+s7+$0x0], $0xffff;
	v6 =	vadd.f32 v6, v17;
	v12 =	vcvt.f32.s32 v12;
	v17 =	vtrunc.f32 v18  }
0x101: {  	v21 =	vadd.f32 $5.000000000e-01, v21;
	v18 =	vmul.f32 $5.000000070e-02, v24;
	v24 =	vmul.f32 $5.000000070e-02, v28  }
0x102: {  	v28 =	vadd.f32 $5.000000000e-01, v30;
	v30 =	vmul.f32 $5.000000070e-02, v6;
	v17 =	vcvt.f32.s32 v17  }
0x103: {  	v27 =	vld.idx.msk [tilespmem:v27+s7+$0x0], $0xffff;
	v14 =	vmul.f32 $5.000000070e-02, v14;
	v18 =	vadd.f32 v20, v18;
	v20 =	vtrunc.f32 v21  }
0x104: {  	s31 =	simm.s32 $0xA0;
	s16 =	simm.s32 $0x140;
	v21 =	vtrunc.f32 v28;
	v28 =	vadd.f32 v30, v3;
	v20 =	vcvt.f32.s32 v20  }
0x105: {  	s16 =	sand.u32 $0x3F00, s16;
	s15 =	sand.u32 $0x60, s31;
	v16 =	vmul.f32 $5.000000070e-02, v16;
	v2 =	vadd.f32 v2, v14;
	v3 =	vmul.f32 $5.000000070e-02, v18  }
0x106: {  	s15 =	sor.u32 s15, s16;
	v21 =	vcvt.f32.s32 v21;
	v14 =	vadd.f32 v1, v24;
	v30 =	vmul.f32 $2.560000000e+02, v28;
	v31 =	vld.idx.msk [tilespmem:v12+s7+$0x0], $0xffff  }
0x107: {  	v1 =	vmul.f32 $5.000000070e-02, v2;
	v12 =	vadd.f32 v11, v16;
	v16 =	vld [tilespmem:s15+$0x90];
	v24 =	vadd.f32 v3, v26  }
0x108: {  	v11 =	vmul.f32 $5.000000070e-02, v27;
	v27 =	vld [tilespmem:s15+$0x10];
	v3 =	vadd.f32 $5.000000000e-01, v30  }
0x109: {  	v26 =	vmul.f32 $5.000000070e-02, v14;
	v17 =	vld.idx.msk [tilespmem:v17+s7+$0x0], $0xffff;
	v1 =	vadd.f32 v1, v25;
	v30 =	vmul.f32 $2.560000000e+02, v24  }
0x10a: {  	v25 =	vmul.f32 $5.000000070e-02, v12;
	v32 =	vtrunc.f32 v3;
	v20 =	vld.idx.msk [tilespmem:v20+s7+$0x0], $0xffff  }
0x10b: {  	v33 =	vld [tilespmem:s15+$0x80];
	v3 =	vadd.f32 v7, v11;
	v56 =	vmul.f32 $2.560000000e+02, v1;
	v7 =	vadd.f32 $5.000000000e-01, v30  }
0x10c: {  	v11 =	vld.idx.msk [tilespmem:v21+s7+$0x0], $0xffff;
	v21 =	vadd.f32 v25, v19;
	v30 =	vcvt.f32.s32 v32;
	v19 =	vmul.f32 $5.000000070e-02, v31  }
0x10d: {  	v25 =	vmul.f32 $5.000000070e-02, v3;
	v31 =	vshrl.u32 v16, $0x10;
	v7 =	vtrunc.f32 v7  }
0x10e: {  	v17 =	vmul.f32 $5.000000070e-02, v17;
	v19 =	vadd.f32 v10, v19;
	v10 =	vand.u32 $0x1, v31  }
0x10f: {  	v31 =	vshrl.u32 v27, $0x10;
	v7 =	vcvt.f32.s32 v7;
	v20 =	vmul.f32 $5.000000070e-02, v20  }
0x110: {  	v34 =	vadd.f32 v8, v17;
	v8 =	vadd.s32 v10, v16;
	v10 =	vand.u32 $0x1, v31  }
0x111: {  	v11 =	vmul.f32 $5.000000070e-02, v11;
	v17 =	vshrl.u32 v33, $0x10;
	v8 =	vadd.s32 $0x7FFF, v8  }
0x112: {  	v10 =	vadd.s32 v10, v27;
	v23 =	vadd.f32 v23, v20;
	v16 =	vmul.f32 $5.000000070e-02, v34  }
0x113: {  	v11 =	vadd.f32 v13, v11;
	v13 =	vld [tilespmem:s15+$0x0];
	v27 =	vand.u32 $0xFFFF0000, v8;
	v8 =	vadd.s32 $0x7FFF, v10  }
0x114: {  	v8 =	vand.u32 $0xFFFF0000, v8;
	v20 =	vmul.f32 $5.000000070e-02, v23;
	v22 =	vadd.f32 v16, v22  }
0x115: {  	v16 =	vand.u32 $0x1, v17;
	v10 =	vmul.f32 $5.000000070e-02, v11;
	v17 =	vmul.f32 $5.004882810e-02, v27  }
0x116: {  	v16 =	vadd.s32 v16, v33;
	v31 =	vadd.f32 v20, v15;
	v15 =	vmul.f32 $2.560000000e+02, v22  }
0x117: {  	v29 =	vadd.f32 v10, v29;
	v16 =	vadd.s32 $0x7FFF, v16;
	v57 =	vadd.f32 v8, v17  }
0x118: {  	v20 =	vshrl.u32 v13, $0x10;
	v35 =	vand.u32 $0xFFFF0000, v16;
	v10 =	vmul.f32 $2.560000000e+02, v31  }
0x119: {  	v15 =	vadd.f32 $5.000000000e-01, v15;
	v8 =	vmul.f32 $2.560000000e+02, v29;
	v17 =	vand.u32 $0x1, v20  }
0x11a: {  	v20 =	vmul.f32 $2.560000000e+02, v57;
	v13 =	vadd.s32 v17, v13;
	v10 =	vadd.f32 $5.000000000e-01, v10  }
0x11b: {  	v7 =	vld.idx.msk [tilespmem:v7+s7+$0x0], $0xffff;
	v17 =	vmul.f32 $5.004882810e-02, v35;
	v15 =	vtrunc.f32 v15;
	v8 =	vadd.f32 $5.000000000e-01, v8  }
0x11c: {  	v30 =	vld.idx.msk [tilespmem:v30+s7+$0x0], $0xffff;
	v15 =	vcvt.f32.s32 v15;
	v10 =	vtrunc.f32 v10  }
0x11d: {  	v8 =	vtrunc.f32 v8;
	v10 =	vcvt.f32.s32 v10  }
0x11e: {  	v16 =	vadd.f32 $5.000000000e-01, v20;
	v13 =	vadd.s32 $0x7FFF, v13;
	v36 =	vcvt.f32.s32 v8  }
0x11f: {  	v58 =	vmul.f32 $2.560000000e+02, v21;
	v37 =	vmul.f32 $5.000000070e-02, v19;
	v8 =	vand.u32 $0xFFFF0000, v13  }
0x120: {  	v13 =	vtrunc.f32 v16;
	v20 =	vadd.f32 v8, v17;
	v8 =	vmul.f32 $5.000000070e-02, v7  }
0x121: {  	v30 =	vmul.f32 $5.000000070e-02, v30;
	v13 =	vcvt.f32.s32 v13;
	v17 =	vadd.f32 $5.000000000e-01, v56  }
0x122: {  	v7 =	vadd.f32 v25, v5;
	v5 =	vmul.f32 $2.560000000e+02, v20;
	v16 =	vadd.f32 v18, v8;
	v15 =	vld.idx.msk [tilespmem:v15+s7+$0x0], $0xffff  }
0x123: {  	v17 =	vtrunc.f32 v17;
	v18 =	vadd.f32 $5.000000000e-01, v58;
	v8 =	vadd.f32 v6, v30;
	v10 =	vld.idx.msk [tilespmem:v10+s7+$0x0], $0xffff  }
0x124: {  	v26 =	vadd.f32 v26, v4;
	v25 =	vmul.f32 $2.560000000e+02, v7;
	v6 =	vmul.f32 $5.000000070e-02, v16;
	v30 =	vld.idx.msk [tilespmem:v36+s7+$0x0], $0xffff  }
0x125: {  	v5 =	vadd.f32 $5.000000000e-01, v5;
	v59 =	vmul.f32 $5.000000070e-02, v8;
	v18 =	vtrunc.f32 v18  }
0x126: {  	v4 =	vcvt.f32.s32 v17;
	v18 =	vcvt.f32.s32 v18;
	v17 =	vadd.f32 v6, v24  }
0x127: {  	v5 =	vtrunc.f32 v5;
	v6 =	vadd.f32 v59, v28;
	v13 =	vld.idx.msk [tilespmem:v13+s7+$0x0], $0xffff;
	v15 =	vmul.f32 $5.000000070e-02, v15  }
0x128: {  	v24 =	vadd.f32 $5.000000000e-01, v25;
	v25 =	vcvt.f32.s32 v5;
	v10 =	vmul.f32 $5.000000070e-02, v10  }
0x129: {  	v5 =	vadd.f32 v34, v15;
	v15 =	vmul.f32 $2.560000000e+02, v17;
	v28 =	vmul.f32 $5.000000070e-02, v30  }
0x12a: {  	v24 =	vtrunc.f32 v24;
	v10 =	vadd.f32 v23, v10;
	v23 =	vmul.f32 $2.560000000e+02, v6  }
0x12b: {  	v30 =	vadd.f32 $5.000000000e-01, v15;
	v15 =	vadd.f32 v11, v28;
	v11 =	vmul.f32 $5.000000070e-02, v5  }
0x12c: {  	v24 =	vcvt.f32.s32 v24;
	v13 =	vmul.f32 $5.000000070e-02, v13;
	v60 =	vld.idx.msk [tilespmem:v18+s7+$0x0], $0xffff;
	v23 =	vadd.f32 $5.000000000e-01, v23  }
0x12d: {  	v28 =	vld.idx.msk [tilespmem:v4+s7+$0x0], $0xffff;
	v30 =	vtrunc.f32 v30;
	v4 =	vadd.f32 v11, v22;
	v11 =	vmul.f32 $5.000000070e-02, v10  }
0x12e: {  	v22 =	vadd.f32 v27, v13;
	v18 =	vmul.f32 $5.000000070e-02, v15;
	v27 =	vcvt.f32.s32 v30  }
0x12f: {  	v13 =	vtrunc.f32 v23;
	v11 =	vadd.f32 v11, v31;
	v23 =	vmul.f32 $2.560000000e+02, v4  }
0x130: {  	v25 =	vld.idx.msk [tilespmem:v25+s7+$0x0], $0xffff;
	v30 =	vadd.f32 v37, v9;
	v9 =	vmul.f32 $5.000000070e-02, v22;
	v18 =	vadd.f32 v18, v29  }
0x131: {  	v31 =	vcvt.f32.s32 v13;
	v13 =	vmul.f32 $2.560000000e+02, v11;
	v23 =	vadd.f32 $5.000000000e-01, v23  }
0x132: {  	v29 =	vld.idx.msk [tilespmem:v24+s7+$0x0], $0xffff;
	v32 =	vmul.f32 $5.000000070e-02, v60;
	v24 =	vadd.f32 v9, v57;
	v9 =	vmul.f32 $5.000000070e-02, v28  }
0x133: {  	v28 =	vmul.f32 $2.560000000e+02, v18;
	v61 =	vadd.f32 $5.000000000e-01, v13;
	v23 =	vtrunc.f32 v23  }
0x134: {  	v13 =	vadd.f32 v12, v32;
	v62 =	vmul.f32 $2.560000000e+02, v24;
	v12 =	vcvt.f32.s32 v23  }
0x135: {  	[tilespmem:s10+$0x90] =	vst v14;
	v14 =	vmul.f32 $5.000000070e-02, v25;
	v25 =	vadd.f32 $5.000000000e-01, v28;
	v28 =	vld.idx.msk [tilespmem:v27+s7+$0x0], $0xffff;
	v23 =	vtrunc.f32 v61  }
0x136: {  	[tilespmem:s10+$0x10] =	vst v26;
	v32 =	vadd.f32 $5.000000000e-01, v62;
	v63 =	vmul.f32 $5.000000070e-02, v13;
	v26 =	vcvt.f32.s32 v23  }
0x137: {  	[tilespmem:s11+$0x90] =	vst v19;
	v19 =	vmul.f32 $5.000000070e-02, v29;
	v23 =	vadd.f32 v35, v14;
	v14 =	vtrunc.f32 v25;
	v25 =	vld.idx.msk [tilespmem:v31+s7+$0x0], $0xffff  }
0x138: {  	s17 =	simm.s32 $0xC0;
	s18 =	simm.s32 $0x180;
	s16 =	simm.s32 $0xA;
	[tilespmem:s11+$0x10] =	vst v30;
	v29 =	vtrunc.f32 v32;
	v27 =	vcvt.f32.s32 v14;
	v14 =	vadd.f32 v63, v21  }
.LBB2_2:
0x139: {  	s19 =	sand.u32 $0x3F00, s18;
	s20 =	sand.u32 $0x60, s17;
	v21 =	vmul.f32 $5.000000070e-02, v23;
	v29 =	vcvt.f32.s32 v29;
	v3 =	vadd.f32 v3, v19  }
0x13a: {  	v19 =	vmul.f32 $5.000000070e-02, v28;
	v31 =	vadd.f32 v2, v9;
	s19 =	sor.u32 s20, s19;
	v28 =	vmul.f32 $2.560000000e+02, v14;
	v30 =	vld.idx.msk [tilespmem:v12+s7+$0x0], $0xffff  }
0x13b: {  	v32 =	vld [tilespmem:s19+$0x10];
	v9 =	vadd.f32 v21, v20;
	v20 =	vmul.f32 $5.000000070e-02, v3;
	v2 =	vmov v3  }
0x13c: {  	v12 =	vadd.f32 v16, v19;
	v19 =	vmul.f32 $5.000000070e-02, v25;
	v3 =	vadd.f32 $5.000000000e-01, v28;
	v16 =	vld.idx.msk [tilespmem:v26+s7+$0x0], $0xffff;
	[tilespmem:s10+$0x80] =	vst v31  }
0x13d: {  	v25 =	vld [tilespmem:s19+$0x90];
	v21 =	vmul.f32 $2.560000000e+02, v9;
	v7 =	vadd.f32 v20, v7;
	v20 =	vmul.f32 $5.000000070e-02, v31  }
0x13e: {  	v26 =	vmul.f32 $5.000000070e-02, v12;
	v27 =	vld.idx.msk [tilespmem:v27+s7+$0x0], $0xffff;
	v28 =	vtrunc.f32 v3;
	v3 =	vadd.f32 v8, v19  }
0x13f: {  	v8 =	vadd.f32 $5.000000000e-01, v21;
	v19 =	vld.idx.msk [tilespmem:v29+s7+$0x0], $0xffff;
	v28 =	vcvt.f32.s32 v28;
	v29 =	vmul.f32 $2.560000000e+02, v7  }
0x140: {  	s16 =	sadd.s32 $0x2, s16;
	v21 =	vadd.f32 v26, v17;
	v26 =	vmul.f32 $5.000000070e-02, v30;
	v31 =	vld [tilespmem:s19+$0x80];
	v17 =	vmul.f32 $5.000000070e-02, v3  }
0x141: {  	p0 =	slt.u32 s16, $0x1FE;
	v20 =	vadd.f32 v20, v1;
	v1 =	vmovc v7;
	v30 =	vld [tilespmem:s19+$0x0];
	v8 =	vtrunc.f32 v8;
	v29 =	vadd.f32 $5.000000000e-01, v29  }
0x142: {  	v16 =	vmul.f32 $5.000000070e-02, v16;
	v5 =	vadd.f32 v5, v26;
	v7 =	vshrl.u32 v25, $0x10  }
0x143: {  	v26 =	vshrl.u32 v32, $0x10;
	v8 =	vcvt.f32.s32 v8;
	v7 =	vand.u32 $0x1, v7;
	[tilespmem:s10+$0x0] =	vst v20;
	s10 =	smov.u32 s11;
	s11 =	smov.u32 s12;
	s12 =	smov.u32 s13  }
0x144: {  	v20 =	vmul.f32 $5.000000070e-02, v27;
	v10 =	vadd.f32 v10, v16;
	v16 =	vmul.f32 $5.000000070e-02, v5;
	s13 =	smov.u32 s14;
	s14 =	smov.u32 s15;
	s15 =	smov.u32 s19;
	[tilespmem:s11+$0x90] =	vst v5  }
0x145: {  	v5 =	vadd.s32 v7, v25;
	v7 =	vand.u32 $0x1, v26;
	v19 =	vmul.f32 $5.000000070e-02, v19;
	v25 =	vld.idx.msk [tilespmem:v28+s7+$0x0], $0xffff  }
0x146: {  	v15 =	vadd.f32 v15, v20;
	v20 =	vmul.f32 $5.000000070e-02, v10;
	v4 =	vadd.f32 v16, v4  }
0x147: {  	v16 =	vshrl.u32 v31, $0x10;
	v5 =	vadd.s32 $0x7FFF, v5;
	v7 =	vadd.s32 v7, v32  }
0x148: {  	v19 =	vadd.f32 v22, v19;
	v22 =	vmul.f32 $5.000000070e-02, v15;
	v11 =	vadd.f32 v20, v11;
	[tilespmem:s11+$0x10] =	vst v4  }
0x149: {  	v26 =	vand.u32 $0xFFFF0000, v5;
	v5 =	vadd.s32 $0x7FFF, v7;
	v4 =	vand.u32 $0x1, v16;
	v7 =	vld.idx.msk [tilespmem:v8+s7+$0x0], $0xffff  }
0x14a: {  	v8 =	vmul.f32 $5.000000070e-02, v19;
	v18 =	vadd.f32 v22, v18;
	v16 =	vmul.f32 $2.560000000e+02, v11  }
0x14b: {  	v5 =	vand.u32 $0xFFFF0000, v5;
	v20 =	vmul.f32 $5.004882810e-02, v26;
	v4 =	vadd.s32 v4, v31  }
0x14c: {  	v24 =	vadd.f32 v8, v24;
	v8 =	vmul.f32 $2.560000000e+02, v18;
	v16 =	vadd.f32 $5.000000000e-01, v16  }
0x14d: {  	v22 =	vshrl.u32 v30, $0x10;
	v27 =	vadd.f32 v5, v20;
	v4 =	vadd.s32 $0x7FFF, v4  }
0x14e: {  	v5 =	vmul.f32 $2.560000000e+02, v24;
	v8 =	vadd.f32 $5.000000000e-01, v8;
	v16 =	vtrunc.f32 v16  }
0x14f: {  	v20 =	vand.u32 $0x1, v22;
	v22 =	vmul.f32 $2.560000000e+02, v27;
	v16 =	vcvt.f32.s32 v16  }
0x150: {  	v31 =	vand.u32 $0xFFFF0000, v4;
	v4 =	vadd.f32 $5.000000000e-01, v5;
	v5 =	vtrunc.f32 v8  }
0x151: {  	v8 =	vadd.s32 v20, v30;
	v20 =	vadd.f32 $5.000000000e-01, v22;
	v5 =	vcvt.f32.s32 v5  }
0x152: {  	v22 =	vmul.f32 $5.004882810e-02, v31;
	v8 =	vadd.s32 $0x7FFF, v8;
	v4 =	vtrunc.f32 v4  }
0x153: {  	v8 =	vand.u32 $0xFFFF0000, v8;
	v28 =	vtrunc.f32 v20;
	v4 =	vcvt.f32.s32 v4  }
0x154: {  	v20 =	vadd.f32 v8, v22;
	v22 =	vcvt.f32.s32 v28;
	v8 =	vmul.f32 $5.000000070e-02, v7  }
0x155: {  	v25 =	vmul.f32 $5.000000070e-02, v25;
	v28 =	vmul.f32 $2.560000000e+02, v21;
	v7 =	vadd.f32 v17, v6;
	v30 =	vld.idx.msk [tilespmem:v16+s7+$0x0], $0xffff  }
0x156: {  	v17 =	vtrunc.f32 v29;
	v6 =	vmul.f32 $2.560000000e+02, v20;
	v16 =	vadd.f32 v23, v8  }
0x157: {  	v23 =	vadd.f32 $5.000000000e-01, v28;
	v8 =	vadd.f32 v13, v25;
	v13 =	vmul.f32 $2.560000000e+02, v7;
	v5 =	vld.idx.msk [tilespmem:v5+s7+$0x0], $0xffff  }
0x158: {  	v28 =	vcvt.f32.s32 v17;
	v6 =	vadd.f32 $5.000000000e-01, v6;
	v25 =	vmul.f32 $5.000000070e-02, v16  }
0x159: {  	v23 =	vtrunc.f32 v23;
	v29 =	vmul.f32 $5.000000070e-02, v8;
	v13 =	vadd.f32 $5.000000000e-01, v13;
	v4 =	vld.idx.msk [tilespmem:v4+s7+$0x0], $0xffff  }
0x15a: {  	v6 =	vtrunc.f32 v6;
	v17 =	vadd.f32 v25, v9;
	v9 =	vcvt.f32.s32 v23;
	v22 =	vld.idx.msk [tilespmem:v22+s7+$0x0], $0xffff  }
0x15b: {  	v23 =	vcvt.f32.s32 v6;
	v6 =	vadd.f32 v29, v14;
	v14 =	vmul.f32 $5.000000070e-02, v30  }
0x15c: {  	v13 =	vtrunc.f32 v13;
	v25 =	vmul.f32 $2.560000000e+02, v17  }
0x15d: {  	v30 =	vmul.f32 $2.560000000e+02, v6;
	v29 =	vmul.f32 $5.000000070e-02, v5;
	v5 =	vadd.f32 v10, v14  }
0x15e: {  	v13 =	vcvt.f32.s32 v13;
	v14 =	vadd.f32 $5.000000000e-01, v25;
	v25 =	vld.idx.msk [tilespmem:v28+s7+$0x0], $0xffff  }
0x15f: {  	v4 =	vmul.f32 $5.000000070e-02, v4;
	v10 =	vadd.f32 v15, v29;
	v28 =	vmul.f32 $5.000000070e-02, v5  }
0x160: {  	v29 =	vadd.f32 $5.000000000e-01, v30;
	v22 =	vmul.f32 $5.000000070e-02, v22;
	v14 =	vtrunc.f32 v14;
	v9 =	vld.idx.msk [tilespmem:v9+s7+$0x0], $0xffff  }
0x161: {  	v15 =	vadd.f32 v19, v4;
	v19 =	vmul.f32 $5.000000070e-02, v10;
	v4 =	vadd.f32 v28, v11;
	v23 =	vld.idx.msk [tilespmem:v23+s7+$0x0], $0xffff  }
0x162: {  	v14 =	vcvt.f32.s32 v14;
	v22 =	vadd.f32 v26, v22;
	v26 =	vtrunc.f32 v29  }
0x163: {  	v28 =	vmul.f32 $5.000000070e-02, v15;
	v11 =	vadd.f32 v19, v18;
	v19 =	vmul.f32 $2.560000000e+02, v4  }
0x164: {  	v30 =	vcvt.f32.s32 v26;
	v29 =	vmul.f32 $5.000000070e-02, v22;
	v32 =	vld.idx.msk [tilespmem:v13+s7+$0x0], $0xffff  }
0x165: {  	v18 =	vadd.f32 v28, v24;
	v13 =	vmul.f32 $2.560000000e+02, v11;
	v19 =	vadd.f32 $5.000000000e-01, v19  }
0x166: {  	v24 =	vadd.f32 v29, v27;
	v26 =	vmul.f32 $5.000000070e-02, v9;
	v9 =	vmul.f32 $5.000000070e-02, v25  }
0x167: {  	v25 =	vmul.f32 $2.560000000e+02, v18;
	v27 =	vadd.f32 $5.000000000e-01, v13;
	v19 =	vtrunc.f32 v19  }
.Ltmp0:
0x168: {  	v29 =	vmul.f32 $2.560000000e+02, v24;
	v13 =	vadd.f32 v12, v26;
	v12 =	vcvt.f32.s32 v19;
	v28 =	vld.idx.msk [tilespmem:v14+s7+$0x0], $0xffff;
	(pc) =	sbr.rel @p0 .LBB2_2-.Ltmp0, $4  }
0x169: {  	v14 =	vmul.f32 $5.000000070e-02, v23;
	v19 =	vadd.f32 $5.000000000e-01, v25;
	v23 =	vtrunc.f32 v27  }
0x16a: {  	v27 =	vadd.f32 $5.000000000e-01, v29;
	v33 =	vmul.f32 $5.000000070e-02, v13;
	v26 =	vcvt.f32.s32 v23;
	v25 =	vld.idx.msk [tilespmem:v30+s7+$0x0], $0xffff  }
0x16b: {  	v23 =	vadd.f32 v31, v14;
	v14 =	vtrunc.f32 v19;
	v19 =	vmul.f32 $5.000000070e-02, v32  }
0x16c: {  	s17 =	sadd.s32 $0x20, s17;
	s18 =	sadd.s32 $0x40, s18;
	v29 =	vtrunc.f32 v27;
	v27 =	vcvt.f32.s32 v14;
	v14 =	vadd.f32 v33, v21  }
0x16d: {  	v21 =	vmul.f32 $5.000000070e-02, v23;
	_ =	sdelay $0x1  }
0x16e: {  	v20 =	vadd.f32 v21, v20;
	_ =	sdelay $0x1  }
0x16f: {  	v21 =	vmul.f32 $2.560000000e+02, v20  }
0x170: {  	v29 =	vcvt.f32.s32 v29  }
0x171: {  	v21 =	vadd.f32 $5.000000000e-01, v21;
	_ =	sdelay $0x1  }
0x172: {  	v21 =	vtrunc.f32 v21  }
0x173: {  	v21 =	vcvt.f32.s32 v21;
	_ =	sdelay $0x1  }
0x174: {  	v29 =	vld.idx.msk [tilespmem:v29+s7+$0x0], $0xffff;
	_ =	sdelay $0x3  }
0x175: {  	v21 =	vld.idx.msk [tilespmem:v21+s7+$0x0], $0xffff  }
0x176: {  	v29 =	vmul.f32 $5.000000070e-02, v29;
	_ =	sdelay $0x1  }
0x177: {  	v22 =	vadd.f32 v22, v29;
	_ =	sdelay $0x1  }
0x178: {  	v29 =	vmul.f32 $5.000000070e-02, v22;
	v21 =	vmul.f32 $5.000000070e-02, v21;
	_ =	sdelay $0x1  }
0x179: {  	v24 =	vadd.f32 v29, v24;
	v21 =	vadd.f32 v23, v21;
	_ =	sdelay $0x1  }
0x17a: {  	v37 =	vmul.f32 $2.560000000e+02, v24;
	v38 =	vmul.f32 $5.000000070e-02, v21;
	_ =	sdelay $0x1  }
0x17b: {  	v23 =	vadd.f32 $5.000000000e-01, v37;
	v20 =	vadd.f32 v38, v20;
	_ =	sdelay $0x1  }
0x17c: {  	v23 =	vtrunc.f32 v23;
	v29 =	vmul.f32 $2.560000000e+02, v20  }
0x17d: {  	v23 =	vcvt.f32.s32 v23  }
0x17e: {  	v29 =	vadd.f32 $5.000000000e-01, v29;
	_ =	sdelay $0x1  }
0x17f: {  	v29 =	vtrunc.f32 v29  }
0x180: {  	v29 =	vcvt.f32.s32 v29;
	_ =	sdelay $0x1  }
0x181: {  	v23 =	vld.idx.msk [tilespmem:v23+s7+$0x0], $0xffff;
	_ =	sdelay $0x3  }
0x182: {  	v29 =	vld.idx.msk [tilespmem:v29+s7+$0x0], $0xffff  }
0x183: {  	v23 =	vmul.f32 $5.000000070e-02, v23;
	_ =	sdelay $0x1  }
0x184: {  	v28 =	vmul.f32 $5.000000070e-02, v28;
	v22 =	vadd.f32 v22, v23;
	_ =	sdelay $0x1  }
0x185: {  	v16 =	vadd.f32 v16, v28;
	v23 =	vmul.f32 $5.000000070e-02, v22;
	v39 =	vmul.f32 $5.000000070e-02, v29;
	_ =	sdelay $0x1  }
0x186: {  	v27 =	vld.idx.msk [tilespmem:v27+s7+$0x0], $0xffff;
	v40 =	vmul.f32 $5.000000070e-02, v16;
	v23 =	vadd.f32 v23, v24;
	v21 =	vadd.f32 v21, v39;
	_ =	sdelay $0x1  }
0x187: {  	v17 =	vadd.f32 v40, v17;
	v24 =	vmul.f32 $2.560000000e+02, v23;
	v28 =	vmul.f32 $5.000000070e-02, v21;
	_ =	sdelay $0x1  }
0x188: {  	v29 =	vmul.f32 $2.560000000e+02, v17;
	v24 =	vadd.f32 $5.000000000e-01, v24;
	v20 =	vadd.f32 v28, v20  }
0x189: {  	v27 =	vmul.f32 $5.000000070e-02, v27  }
0x18a: {  	v41 =	vadd.f32 $5.000000000e-01, v29;
	v24 =	vtrunc.f32 v24;
	v42 =	vmul.f32 $2.560000000e+02, v20  }
0x18b: {  	v15 =	vadd.f32 v15, v27;
	v24 =	vcvt.f32.s32 v24  }
0x18c: {  	v28 =	vtrunc.f32 v41;
	v29 =	vadd.f32 $5.000000000e-01, v42  }
0x18d: {  	v44 =	vmul.f32 $5.000000070e-02, v15;
	v28 =	vcvt.f32.s32 v28  }
0x18e: {  	v43 =	vtrunc.f32 v29  }
0x18f: {  	v18 =	vadd.f32 v44, v18;
	v27 =	vcvt.f32.s32 v43;
	_ =	sdelay $0x1  }
0x190: {  	v30 =	vmul.f32 $2.560000000e+02, v18;
	v24 =	vld.idx.msk [tilespmem:v24+s7+$0x0], $0xffff;
	_ =	sdelay $0x1  }
0x191: {  	v30 =	vadd.f32 $5.000000000e-01, v30;
	v28 =	vld.idx.msk [tilespmem:v28+s7+$0x0], $0xffff;
	_ =	sdelay $0x1  }
0x192: {  	v45 =	vmul.f32 $2.560000000e+02, v14;
	v30 =	vtrunc.f32 v30;
	v27 =	vld.idx.msk [tilespmem:v27+s7+$0x0], $0xffff  }
0x193: {  	v47 =	vcvt.f32.s32 v30;
	v24 =	vmul.f32 $5.000000070e-02, v24  }
0x194: {  	v29 =	vadd.f32 $5.000000000e-01, v45  }
0x195: {  	v28 =	vmul.f32 $5.000000070e-02, v28;
	v22 =	vadd.f32 v22, v24  }
0x196: {  	v29 =	vtrunc.f32 v29  }
0x197: {  	v16 =	vadd.f32 v16, v28;
	v48 =	vmul.f32 $5.000000070e-02, v22;
	v27 =	vmul.f32 $5.000000070e-02, v27  }
0x198: {  	v46 =	vcvt.f32.s32 v29  }
0x199: {  	v29 =	vld.idx.msk [tilespmem:v47+s7+$0x0], $0xffff;
	v49 =	vmul.f32 $5.000000070e-02, v16;
	v23 =	vadd.f32 v48, v23;
	v21 =	vadd.f32 v21, v27;
	_ =	sdelay $0x1  }
0x19a: {  	v17 =	vadd.f32 v49, v17;
	v50 =	vmul.f32 $2.560000000e+02, v23;
	v51 =	vmul.f32 $5.000000070e-02, v21;
	_ =	sdelay $0x1  }
0x19b: {  	v30 =	vmul.f32 $2.560000000e+02, v17;
	v27 =	vadd.f32 $5.000000000e-01, v50;
	v20 =	vadd.f32 v51, v20  }
0x19c: {  	v29 =	vmul.f32 $5.000000070e-02, v29  }
0x19d: {  	v24 =	vld.idx.msk [tilespmem:v46+s7+$0x0], $0xffff;
	v52 =	vadd.f32 $5.000000000e-01, v30;
	v27 =	vtrunc.f32 v27;
	v53 =	vmul.f32 $2.560000000e+02, v20  }
0x19e: {  	v15 =	vadd.f32 v15, v29;
	v27 =	vcvt.f32.s32 v27  }
0x19f: {  	v28 =	vtrunc.f32 v52;
	v30 =	vadd.f32 $5.000000000e-01, v53  }
0x1a0: {  	v56 =	vmul.f32 $5.000000070e-02, v15;
	v28 =	vcvt.f32.s32 v28  }
0x1a1: {  	v54 =	vtrunc.f32 v30  }
0x1a2: {  	v24 =	vmul.f32 $5.000000070e-02, v24;
	v18 =	vadd.f32 v56, v18;
	v55 =	vcvt.f32.s32 v54;
	_ =	sdelay $0x1  }
0x1a3: {  	v13 =	vadd.f32 v13, v24;
	v29 =	vmul.f32 $2.560000000e+02, v18;
	v27 =	vld.idx.msk [tilespmem:v27+s7+$0x0], $0xffff;
	_ =	sdelay $0x1  }
0x1a4: {  	v57 =	vmul.f32 $5.000000070e-02, v13;
	v29 =	vadd.f32 $5.000000000e-01, v29;
	v28 =	vld.idx.msk [tilespmem:v28+s7+$0x0], $0xffff;
	_ =	sdelay $0x1  }
0x1a5: {  	v58 =	vadd.f32 v57, v14;
	v29 =	vtrunc.f32 v29;
	v24 =	vld.idx.msk [tilespmem:v55+s7+$0x0], $0xffff  }
0x1a6: {  	v29 =	vcvt.f32.s32 v29;
	v27 =	vmul.f32 $5.000000070e-02, v27  }
0x1a7: {  	v30 =	vmul.f32 $2.560000000e+02, v58  }
0x1a8: {  	v28 =	vmul.f32 $5.000000070e-02, v28;
	v22 =	vadd.f32 v22, v27  }
0x1a9: {  	v30 =	vadd.f32 $5.000000000e-01, v30  }
0x1aa: {  	v16 =	vadd.f32 v16, v28;
	v60 =	vmul.f32 $5.000000070e-02, v22;
	v24 =	vmul.f32 $5.000000070e-02, v24  }
0x1ab: {  	v59 =	vtrunc.f32 v30  }
0x1ac: {  	v29 =	vld.idx.msk [tilespmem:v29+s7+$0x0], $0xffff;
	v61 =	vmul.f32 $5.000000070e-02, v16;
	v23 =	vadd.f32 v60, v23;
	v21 =	vadd.f32 v21, v24  }
0x1ad: {  	v27 =	vcvt.f32.s32 v59  }
0x1ae: {  	v26 =	vld.idx.msk [tilespmem:v26+s7+$0x0], $0xffff;
	v17 =	vadd.f32 v61, v17;
	v62 =	vmul.f32 $2.560000000e+02, v23;
	v63 =	vmul.f32 $5.000000070e-02, v21;
	_ =	sdelay $0x1  }
0x1af: {  	v30 =	vmul.f32 $2.560000000e+02, v17;
	v24 =	vadd.f32 $5.000000000e-01, v62;
	v20 =	vadd.f32 v63, v20  }
0x1b0: {  	v29 =	vmul.f32 $5.000000070e-02, v29  }
0x1b1: {  	v34 =	vadd.f32 $5.000000000e-01, v30;
	v24 =	vtrunc.f32 v24;
	v28 =	vmul.f32 $2.560000000e+02, v20  }
0x1b2: {  	v26 =	vmul.f32 $5.000000070e-02, v26;
	v24 =	vcvt.f32.s32 v24  }
0x1b3: {  	v15 =	vadd.f32 v15, v29;
	v33 =	vld.idx.msk [tilespmem:v27+s7+$0x0], $0xffff;
	v27 =	vtrunc.f32 v34;
	v28 =	vadd.f32 $5.000000000e-01, v28  }
0x1b4: {  	v25 =	vmul.f32 $5.000000070e-02, v25;
	v10 =	vadd.f32 v10, v26;
	v27 =	vcvt.f32.s32 v27  }
0x1b5: {  	v39 =	vmul.f32 $5.000000070e-02, v15;
	v36 =	vtrunc.f32 v28  }
0x1b6: {  	v8 =	vadd.f32 v8, v25;
	v35 =	vmul.f32 $5.000000070e-02, v10;
	v25 =	vcvt.f32.s32 v36  }
0x1b7: {  	v18 =	vadd.f32 v39, v18  }
0x1b8: {  	v11 =	vadd.f32 v35, v11;
	v37 =	vmul.f32 $5.000000070e-02, v8;
	v26 =	vmul.f32 $5.000000070e-02, v33;
	v24 =	vld.idx.msk [tilespmem:v24+s7+$0x0], $0xffff  }
0x1b9: {  	v44 =	vmul.f32 $2.560000000e+02, v18  }
0x1ba: {  	v6 =	vadd.f32 v37, v6;
	v38 =	vmul.f32 $2.560000000e+02, v11;
	v13 =	vadd.f32 v13, v26;
	v42 =	vld.idx.msk [tilespmem:v27+s7+$0x0], $0xffff  }
0x1bb: {  	v45 =	vadd.f32 $5.000000000e-01, v44  }
0x1bc: {  	v40 =	vadd.f32 $5.000000000e-01, v38;
	v43 =	vmul.f32 $2.560000000e+02, v6;
	v41 =	vmul.f32 $5.000000070e-02, v13;
	v25 =	vld.idx.msk [tilespmem:v25+s7+$0x0], $0xffff  }
0x1bd: {  	v48 =	vtrunc.f32 v45;
	v24 =	vmul.f32 $5.000000070e-02, v24  }
0x1be: {  	v14 =	vadd.f32 v41, v58;
	v28 =	vtrunc.f32 v40;
	v27 =	vadd.f32 $5.000000000e-01, v43  }
0x1bf: {  	v28 =	vcvt.f32.s32 v28;
	v26 =	vmul.f32 $5.000000070e-02, v42;
	v22 =	vadd.f32 v22, v24  }
0x1c0: {  	v46 =	vmul.f32 $2.560000000e+02, v14;
	v27 =	vtrunc.f32 v27  }
0x1c1: {  	v16 =	vadd.f32 v16, v26;
	v50 =	vmul.f32 $5.000000070e-02, v22;
	v25 =	vmul.f32 $5.000000070e-02, v25  }
0x1c2: {  	v49 =	vadd.f32 $5.000000000e-01, v46;
	v47 =	vcvt.f32.s32 v27;
	v27 =	vcvt.f32.s32 v48  }
0x1c3: {  	v51 =	vmul.f32 $5.000000070e-02, v16;
	v23 =	vadd.f32 v50, v23;
	v21 =	vadd.f32 v21, v25  }
0x1c4: {  	v29 =	vtrunc.f32 v49  }
0x1c5: {  	v26 =	vmul.f32 $2.560000000e+02, v23;
	v17 =	vadd.f32 v51, v17;
	v53 =	vmul.f32 $5.000000070e-02, v21  }
0x1c6: {  	v52 =	vcvt.f32.s32 v29;
	v28 =	vld.idx.msk [tilespmem:v28+s7+$0x0], $0xffff  }
0x1c7: {  	v26 =	vadd.f32 $5.000000000e-01, v26;
	v30 =	vmul.f32 $2.560000000e+02, v17;
	v20 =	vadd.f32 v53, v20  }
0x1c8: {  	v3 =	vadd.f32 v3, v19;
	v24 =	vld.idx.msk [tilespmem:v47+s7+$0x0], $0xffff  }
0x1c9: {  	v27 =	vld.idx.msk [tilespmem:v27+s7+$0x0], $0xffff;
	v26 =	vtrunc.f32 v26;
	v54 =	vadd.f32 $5.000000000e-01, v30;
	v55 =	vmul.f32 $2.560000000e+02, v20  }
0x1ca: {  	v59 =	vmul.f32 $5.000000070e-02, v3;
	v56 =	vcvt.f32.s32 v26  }
0x1cb: {  	v28 =	vmul.f32 $5.000000070e-02, v28;
	v57 =	vtrunc.f32 v54;
	v58 =	vadd.f32 $5.000000000e-01, v55  }
0x1cc: {  	v7 =	vadd.f32 v59, v7;
	v26 =	vcvt.f32.s32 v57  }
0x1cd: {  	v10 =	vadd.f32 v10, v28;
	v25 =	vld.idx.msk [tilespmem:v52+s7+$0x0], $0xffff;
	v24 =	vmul.f32 $5.000000070e-02, v24;
	v28 =	vtrunc.f32 v58  }
0x1ce: {  	v27 =	vmul.f32 $5.000000070e-02, v27;
	v28 =	vcvt.f32.s32 v28  }
0x1cf: {  	v29 =	vmul.f32 $2.560000000e+02, v7;
	v60 =	vmul.f32 $5.000000070e-02, v10;
	v8 =	vadd.f32 v8, v24  }
0x1d0: {  	v15 =	vadd.f32 v15, v27;
	v19 =	vld.idx.msk [tilespmem:v56+s7+$0x0], $0xffff  }
0x1d1: {  	v63 =	vadd.f32 $5.000000000e-01, v29;
	v11 =	vadd.f32 v60, v11;
	v61 =	vmul.f32 $5.000000070e-02, v8  }
0x1d2: {  	v25 =	vmul.f32 $5.000000070e-02, v25;
	v32 =	vmul.f32 $5.000000070e-02, v15;
	v33 =	vld.idx.msk [tilespmem:v26+s7+$0x0], $0xffff  }
0x1d3: {  	v24 =	vtrunc.f32 v63;
	v62 =	vmul.f32 $2.560000000e+02, v11;
	v6 =	vadd.f32 v61, v6  }
0x1d4: {  	v24 =	vcvt.f32.s32 v24;
	v13 =	vadd.f32 v13, v25;
	v18 =	vadd.f32 v32, v18;
	v28 =	vld.idx.msk [tilespmem:v28+s7+$0x0], $0xffff  }
0x1d5: {  	v34 =	vadd.f32 $5.000000000e-01, v62;
	v35 =	vmul.f32 $2.560000000e+02, v6;
	v19 =	vmul.f32 $5.000000070e-02, v19  }
0x1d6: {  	v36 =	vmul.f32 $5.000000070e-02, v13;
	v38 =	vmul.f32 $2.560000000e+02, v18  }
0x1d7: {  	v26 =	vtrunc.f32 v34;
	v19 =	vadd.f32 v22, v19;
	v37 =	vmul.f32 $5.000000070e-02, v33  }
0x1d8: {  	v27 =	vadd.f32 $5.000000000e-01, v35;
	v14 =	vadd.f32 v36, v14;
	v26 =	vcvt.f32.s32 v26  }
0x1d9: {  	v16 =	vadd.f32 v16, v37;
	v39 =	vmul.f32 $5.000000070e-02, v19;
	v28 =	vmul.f32 $5.000000070e-02, v28  }
0x1da: {  	v25 =	vadd.f32 $5.000000000e-01, v38;
	v27 =	vtrunc.f32 v27;
	v29 =	vmul.f32 $2.560000000e+02, v14  }
0x1db: {  	v12 =	vld.idx.msk [tilespmem:v12+s7+$0x0], $0xffff;
	v22 =	vadd.f32 v39, v23;
	v40 =	vmul.f32 $5.000000070e-02, v16;
	v21 =	vadd.f32 v21, v28  }
0x1dc: {  	v25 =	vtrunc.f32 v25;
	v27 =	vcvt.f32.s32 v27;
	v29 =	vadd.f32 $5.000000000e-01, v29  }
0x1dd: {  	v24 =	vld.idx.msk [tilespmem:v24+s7+$0x0], $0xffff;
	v42 =	vmul.f32 $2.560000000e+02, v22;
	v17 =	vadd.f32 v40, v17;
	v43 =	vmul.f32 $5.000000070e-02, v21  }
0x1de: {  	v25 =	vcvt.f32.s32 v25;
	v41 =	vtrunc.f32 v29  }
0x1df: {  	v29 =	vadd.f32 $5.000000000e-01, v42;
	v44 =	vmul.f32 $2.560000000e+02, v17;
	v20 =	vadd.f32 v43, v20  }
0x1e0: {  	v2 =	vadd.f32 v2, v9;
	v45 =	vmul.f32 $5.000000070e-02, v12;
	v46 =	vld.idx.msk [tilespmem:v26+s7+$0x0], $0xffff;
	v28 =	vcvt.f32.s32 v41  }
0x1e1: {  	v47 =	vtrunc.f32 v29;
	v23 =	vadd.f32 $5.000000000e-01, v44;
	v48 =	vmul.f32 $2.560000000e+02, v20  }
0x1e2: {  	v5 =	vadd.f32 v5, v45;
	v49 =	vmul.f32 $5.000000070e-02, v24;
	v50 =	vld.idx.msk [tilespmem:v27+s7+$0x0], $0xffff;
	v26 =	vcvt.f32.s32 v47  }
0x1e3: {  	v51 =	vmul.f32 $5.000000070e-02, v2;
	v23 =	vtrunc.f32 v23;
	v29 =	vadd.f32 $5.000000000e-01, v48  }
0x1e4: {  	v52 =	vmul.f32 $5.000000070e-02, v5;
	v3 =	vadd.f32 v3, v49;
	v25 =	vld.idx.msk [tilespmem:v25+s7+$0x0], $0xffff;
	v23 =	vcvt.f32.s32 v23  }
0x1e5: {  	v1 =	vadd.f32 v51, v1;
	v12 =	vmul.f32 $5.000000070e-02, v46;
	v54 =	vtrunc.f32 v29  }
0x1e6: {  	[tilespmem:s10+$0x80] =	vst v2;
	v2 =	vmul.f32 $5.000000070e-02, v3;
	v53 =	vld.idx.msk [tilespmem:v28+s7+$0x0], $0xffff;
	v28 =	vcvt.f32.s32 v54  }
0x1e7: {  	[tilespmem:s10+$0x0] =	vst v1;
	v1 =	vadd.f32 v52, v4;
	v55 =	vadd.f32 v10, v12;
	v56 =	vmul.f32 $5.000000070e-02, v50  }
0x1e8: {  	[tilespmem:s12+$0x90] =	vst v5;
	v2 =	vadd.f32 v2, v7;
	v57 =	vld.idx.msk [tilespmem:v26+s7+$0x0], $0xffff  }
0x1e9: {  	[tilespmem:s12+$0x10] =	vst v1;
	v59 =	vmul.f32 $5.000000070e-02, v25;
	v1 =	vmul.f32 $5.000000070e-02, v55;
	v58 =	vadd.f32 v8, v56  }
0x1ea: {  	[tilespmem:s11+$0x80] =	vst v3;
	v60 =	vld.idx.msk [tilespmem:v23+s7+$0x0], $0xffff  }
0x1eb: {  	[tilespmem:s11+$0x0] =	vst v2;
	v8 =	vadd.f32 v15, v59;
	v1 =	vadd.f32 v1, v11;
	v2 =	vmul.f32 $5.000000070e-02, v58  }
0x1ec: {  	[tilespmem:s13+$0x90] =	vst v55;
	v3 =	vmul.f32 $5.000000070e-02, v53;
	v61 =	vld.idx.msk [tilespmem:v28+s7+$0x0], $0xffff  }
0x1ed: {  	[tilespmem:s13+$0x10] =	vst v1;
	v1 =	vadd.f32 v2, v6;
	v2 =	vmul.f32 $5.000000070e-02, v8;
	v5 =	vmul.f32 $5.000000070e-02, v57  }
0x1ee: {  	[tilespmem:s12+$0x80] =	vst v58;
	v3 =	vadd.f32 v13, v3  }
0x1ef: {  	[tilespmem:s12+$0x0] =	vst v1;
	v1 =	vadd.f32 v2, v18;
	v2 =	vadd.f32 v19, v5;
	v63 =	vmul.f32 $5.000000070e-02, v60  }
0x1f0: {  	[tilespmem:s14+$0x90] =	vst v8;
	v62 =	vmul.f32 $5.000000070e-02, v3  }
0x1f1: {  	[tilespmem:s14+$0x10] =	vst v1;
	v1 =	vmul.f32 $5.000000070e-02, v2;
	v5 =	vadd.f32 v16, v63;
	v4 =	vmul.f32 $5.000000070e-02, v61  }
0x1f2: {  	[tilespmem:s13+$0x80] =	vst v3;
	v6 =	vadd.f32 v62, v14  }
0x1f3: {  	[tilespmem:s15+$0x90] =	vst v2;
	v1 =	vadd.f32 v1, v22;
	v3 =	vmul.f32 $5.000000070e-02, v5;
	v4 =	vadd.f32 v21, v4  }
0x1f4: {  	[tilespmem:s13+$0x0] =	vst v6  }
0x1f5: {  	[tilespmem:s15+$0x10] =	vst v1;
	v1 =	vadd.f32 v3, v17;
	v2 =	vmul.f32 $5.000000070e-02, v4  }
0x1f6: {  	[tilespmem:s14+$0x80] =	vst v5  }
0x1f7: {  	s9 =	sadd.s32 $0x1, s9;
	[tilespmem:s14+$0x0] =	vst v1;
	v1 =	vadd.f32 v2, v20  }
0x1f8: {  	p0 =	sne.s32 s9, s6;
	[tilespmem:s15+$0x80] =	vst v4  }
.Ltmp1:
0x1f9: {  	[tilespmem:s15+$0x0] =	vst v1;
	(pc) =	sbr.rel @p0 .LBB2_1-.Ltmp1, $4  }
0x1fa: {  	[hbm4b:s5+s3] =	stream.linear.scatter [tilespmem:s3], [sflag:$0x1], $0x4000, $0x38;
	[tilespmem:$0x4200] =	vst v63  }
0x1fb: {  	_ =	swait.ge [sflag:s8], $0x4000  }
0x1fc: {  	[sflag:s8] =	ssyncset.done $0x0  }
0x1fd: {  	[sflag:s8] =	ssyncadd.s32 $0xFFFFC000  }
0x1fe: {  	_ =	sfence.sel $0x180000  }
0x1ff: {  	[bflag:$0x0] =	sbarrier.arrive $0xFFFF  }
0x200: {  	p0 =	sne.s32 s2, $0x0;
	_ =	strace $0x90000047  }
0x201: {  	s0 =	sadd.s32 @!p0 $0x100000, s0;
	[bflag:$0x2] =	sbarrier.arrive $0xFFFF  }
0x202: {  	[sflag:s0] =	ssyncadd.tile.s32 @!p0 $0x1;
	_ =	shalt  }
.Lfunc_end2:
_tile_overlayer_lowered:
.L_overlay_start_2:
0x203: {  	(tag) =	ssettag $0x2  }
0x204: {  	s0 =	rddreg [dreg:$0x0];
	s2 =	stileid.u32  }
0x205: {  	s1 =	rddreg [dreg:$0x1];
	p0 =	sne.s32 s2, $0x0  }
0x206: {  	s3 =	rddreg [dreg:$0x2];
	[bflag:$0x3] =	sbarrier.arrive $0xFFFF;
	s2 =	simm.s32 @!p0 $0x1C01  }
0x207: {  	[timem:s3], [sflag:s2] =	dma.local @!p0 [hbm:s0], s1  }
0x208: {  	s0 =	simm.s32 @!p0 $0x1  }
0x209: {  	_ =	swait.ge @!p0 [sflag:s0], s1  }
0x20a: {  	s1 =	ssub.s32 @!p0 $0x0, s1;
	[sflag:s0] =	ssyncset.done @!p0 $0x0  }
0x20b: {  	[sflag:s0] =	ssyncadd.s32 @!p0 s1  }
0x20c: {  	[bflag:$0x3] =	sbarrier.arrive $0xFFFF  }
0x20d: {  	_ =	shalt  }

</sc_bundles>
